<compile_context>
chip_gen: v7x
topology: tpu7x:2x2x1
jax: 0.10.2.dev20260603
libtpu: 0.0.44.dev20260713+nightly
codegen_flags: <defaults>
</compile_context>

<pallas_src>
import jax
import jax.numpy as jnp
from jax import lax
from jax.experimental import pallas as pl
from jax.experimental.pallas import tpu as pltpu
from jax.experimental.pallas import tpu_sc as plsc

_B = 16384
_D = 64
_MU = 3.5
_NC = 2
_NS = 16
_NW = _NC * _NS
_BPW = _B // _NW
_CH = 128
_NCH = _BPW // _CH
_L = 16
_NV = _D // _L


def _sc_body(uidx_hbm, iidx_hbm, uemb_hbm, iemb_hbm, ubias_hbm, ibias_hbm,
             acc_hbm, ubg_hbm, ibg_hbm,
             uidx_v, iidx_v, u0_v, u1_v, i0_v, i1_v,
             ubias_v, ibias_v, acc_v, sem, bsem):
    wid = lax.axis_index("s") * _NC + lax.axis_index("c")
    base = wid * _BPW

    pltpu.sync_copy(uidx_hbm.at[pl.ds(wid * _NCH, _NCH)], uidx_v)
    pltpu.sync_copy(iidx_hbm.at[pl.ds(wid * _NCH, _NCH)], iidx_v)

    bias_copies = []
    for j in range(_NCH):
        bias_copies.append(pltpu.async_copy(
            ubias_hbm.at[uidx_v.at[j]], ubias_v.at[pl.ds(j * _CH, _CH)],
            bsem))
        bias_copies.append(pltpu.async_copy(
            ibias_hbm.at[iidx_v.at[j]], ibias_v.at[pl.ds(j * _CH, _CH)],
            bsem))

    ubufs = [u0_v, u1_v]
    ibufs = [i0_v, i1_v]

    def fire(j):
        return (pltpu.async_copy(uemb_hbm.at[uidx_v.at[j]], ubufs[j % 2],
                                 sem),
                pltpu.async_copy(iemb_hbm.at[iidx_v.at[j]], ibufs[j % 2],
                                 sem))

    inflight = fire(0)
    for j in range(_NCH):
        cu, ci = inflight
        if j + 1 < _NCH:
            nxt = fire(j + 1)
        cu.wait()
        ci.wait()
        if j + 1 < _NCH:
            inflight = nxt

        ubuf = ubufs[j % 2]
        ibuf = ibufs[j % 2]

        def row(b, carry):
            bb = j * _CH + b
            acc = jnp.zeros((_L,), jnp.float32)
            for i in range(_NV):
                u = ubuf[b, pl.ds(i * _L, _L)]
                v = ibuf[b, pl.ds(i * _L, _L)]
                acc = acc + u * v
            acc_v[bb, :] = acc
            return carry

        lax.fori_loop(0, _CH, row, 0)

    for cp in bias_copies:
        cp.wait()

    pltpu.sync_copy(acc_v, acc_hbm.at[pl.ds(base, _BPW)])
    pltpu.sync_copy(ubias_v, ubg_hbm.at[pl.ds(base, _BPW)])
    pltpu.sync_copy(ibias_v, ibg_hbm.at[pl.ds(base, _BPW)])


def _tc_body(acc_ref, ub_ref, ib_ref, o_ref):
    o_ref[...] = (jnp.sum(acc_ref[...], axis=-1) + ub_ref[...] + ib_ref[...]
                  + (2.0 * _MU))


@jax.jit
def kernel(user_indices, item_indices, user_embedding, item_embedding,
           user_bias, item_bias):
    ui = user_indices.astype(jnp.int32)
    ii = item_indices.astype(jnp.int32)
    uidx = ui.reshape(_NW * _NCH, _CH)
    iidx = ii.reshape(_NW * _NCH, _CH)
    ub = user_bias.reshape(-1)
    ib = item_bias.reshape(-1)

    mesh = plsc.VectorSubcoreMesh(core_axis_name="c", subcore_axis_name="s")
    sc_run = pl.kernel(
        _sc_body,
        out_type=[
            jax.ShapeDtypeStruct((_B, _L), jnp.float32),
            jax.ShapeDtypeStruct((_B,), jnp.float32),
            jax.ShapeDtypeStruct((_B,), jnp.float32),
        ],
        mesh=mesh,
        compiler_params=pltpu.CompilerParams(use_tc_tiling_on_sc=False),
        scratch_types=[
            pltpu.VMEM((_NCH, _CH), jnp.int32),
            pltpu.VMEM((_NCH, _CH), jnp.int32),
            pltpu.VMEM((_CH, _D), jnp.float32),
            pltpu.VMEM((_CH, _D), jnp.float32),
            pltpu.VMEM((_CH, _D), jnp.float32),
            pltpu.VMEM((_CH, _D), jnp.float32),
            pltpu.VMEM((_BPW,), jnp.float32),
            pltpu.VMEM((_BPW,), jnp.float32),
            pltpu.VMEM((_BPW, _L), jnp.float32),
            pltpu.SemaphoreType.DMA,
            pltpu.SemaphoreType.DMA,
        ],
    )
    acc, ubg, ibg = sc_run(uidx, iidx, user_embedding, item_embedding, ub, ib)

    rows_per_blk = 1024
    grid = (_B // rows_per_blk,)
    out = pl.pallas_call(
        _tc_body,
        grid=grid,
        in_specs=[
            pl.BlockSpec((rows_per_blk, _L), lambda i: (i, 0)),
            pl.BlockSpec((rows_per_blk,), lambda i: (i,)),
            pl.BlockSpec((rows_per_blk,), lambda i: (i,)),
        ],
        out_specs=pl.BlockSpec((rows_per_blk,), lambda i: (i,)),
        out_shape=jax.ShapeDtypeStruct((_B,), jnp.float32),
    )(acc, ubg, ibg)
    return out

# --- scband reference (transcript-rebuilt; emitter-appended) ---
"""Pipeline reference for scband-bias-mf-11802570129432 (READ-ONLY COPY).

The authoritative reference and input builder live on the scoring server;
editing this copy changes nothing except your own understanding.
"""

import jax, jax.numpy as jnp
import numpy as np

NUM_USERS = 1000000
NUM_ITEMS = 100000
LATENT_DIM = 64
MU = 3.5
BATCH = 16384


def setup_inputs(seed: int = 0) -> dict:
    key = jax.random.key(seed)
    k1, k2, k3, k4 = jax.random.split(key, 4)
    user_indices = jax.random.randint(k1, (BATCH,), 0, NUM_USERS, dtype=jnp.int64 if jax.config.jax_enable_x64 else jnp.int32)
    item_indices = jax.random.randint(k2, (BATCH,), 0, NUM_ITEMS, dtype=jnp.int64 if jax.config.jax_enable_x64 else jnp.int32)
    # torch.nn.Embedding default init: N(0, 1)
    user_embedding = jax.random.normal(k3, (NUM_USERS, LATENT_DIM), dtype=jnp.float32)
    item_embedding = jax.random.normal(k4, (NUM_ITEMS, LATENT_DIM), dtype=jnp.float32)
    # biases are explicitly zero-initialized in the torch module
    user_bias = jnp.zeros((NUM_USERS, 1), dtype=jnp.float32)
    item_bias = jnp.zeros((NUM_ITEMS, 1), dtype=jnp.float32)
    return {
        "user_indices": user_indices,
        "item_indices": item_indices,
        "user_embedding": user_embedding,
        "item_embedding": item_embedding,
        "user_bias": user_bias,
        "item_bias": item_bias,
    }


def reference(user_indices, item_indices, user_embedding, item_embedding, user_bias, item_bias):
    user_vec = jnp.take(user_embedding, user_indices, axis=0)  # [B, D]
    item_vec = jnp.take(item_embedding, item_indices, axis=0)  # [B, D]
    dot = jnp.sum(user_vec * item_vec, axis=-1)                # [B]
    ub = jnp.take(user_bias, user_indices, axis=0).reshape(-1)
    ib = jnp.take(item_bias, item_indices, axis=0).reshape(-1)
    # faithful to original: mu is added twice
    rating = dot + MU + ub + ib + MU
    return rating

if __name__ == "__main__":
    import jax
    _d = setup_inputs()
    print(jax.jit(kernel)(*tuple(_d.values())))

</pallas_src>

<mosaic_0001>
#map = affine_map<(d0, d1) -> (0, 0)>
#map1 = affine_map<(d0, d1) -> (0)>
module attributes {stable_mosaic.version = 14 : i64} {
  func.func @_sc_body(%arg0: i32, %arg1: i32, %arg2: memref<128x128xi32, #tpu.memory_space<hbm>>, %arg3: memref<128x128xi32, #tpu.memory_space<hbm>>, %arg4: memref<1000000x64xf32, #tpu.memory_space<hbm>>, %arg5: memref<100000x64xf32, #tpu.memory_space<hbm>>, %arg6: memref<1000000xf32, #tpu.memory_space<hbm>>, %arg7: memref<100000xf32, #tpu.memory_space<hbm>>, %arg8: memref<16384x16xf32, #tpu.memory_space<hbm>>, %arg9: memref<16384xf32, #tpu.memory_space<hbm>>, %arg10: memref<16384xf32, #tpu.memory_space<hbm>>, %arg11: memref<4x128xi32, #tpu.memory_space<vmem>>, %arg12: memref<4x128xi32, #tpu.memory_space<vmem>>, %arg13: memref<128x64xf32, #tpu.memory_space<vmem>>, %arg14: memref<128x64xf32, #tpu.memory_space<vmem>>, %arg15: memref<128x64xf32, #tpu.memory_space<vmem>>, %arg16: memref<128x64xf32, #tpu.memory_space<vmem>>, %arg17: memref<512xf32, #tpu.memory_space<vmem>>, %arg18: memref<512xf32, #tpu.memory_space<vmem>>, %arg19: memref<512x16xf32, #tpu.memory_space<vmem>>, %arg20: memref<!tpu.dma_semaphore, #tpu.memory_space<semaphore_mem>>, %arg21: memref<!tpu.dma_semaphore, #tpu.memory_space<semaphore_mem>>) attributes {dimension_semantics = [#tpu.dimension_semantics<core_parallel>, #tpu.dimension_semantics<subcore_parallel>], iteration_bounds = array<i64: 2, 16>, scalar_prefetch = 0 : i64, scratch_operands = 11 : i64, tpu.core_type = #tpu.core_type<sc_vector_subcore>, window_params = [{transform_indices = #map}, {transform_indices = #map}, {transform_indices = #map}, {transform_indices = #map}, {transform_indices = #map1}, {transform_indices = #map1}, {transform_indices = #map}, {transform_indices = #map1}, {transform_indices = #map1}]} {
    %mul3A = arith.constant 2 : i32
    %mul3A_0 = arith.muli %arg1, %mul3A : i32
    %add3A = arith.addi %mul3A_0, %arg0 : i32
    %mul3A_1 = arith.constant 512 : i32
    %mul3A_2 = arith.muli %add3A, %mul3A_1 : i32
    %mul3A_3 = arith.constant 4 : i32
    %mul3A_4 = arith.muli %add3A, %mul3A_3 : i32
    "tpu.region"() ({
      %run_scoped3A = tpu.sem_alloc : memref<!tpu.dma_semaphore, #tpu.memory_space<semaphore_mem>>
      %dma_start3A_268 = arith.constant 0 : i32
      %dma_start3A_269 = tpu.memref_slice %arg2[%mul3A_4, %dma_start3A_268] : memref<128x128xi32, #tpu.memory_space<hbm>> -> memref<4x128xi32, #tpu.memory_space<hbm>>
      %dma_start3A_270 = arith.constant 0 : i32
      %dma_start3A_271 = tpu.memref_slice %arg2[%mul3A_4, %dma_start3A_270] : memref<128x128xi32, #tpu.memory_space<hbm>> -> memref<4x128xi32, #tpu.memory_space<hbm>>
      tpu.enqueue_dma source(%dma_start3A_271 : memref<4x128xi32, #tpu.memory_space<hbm>>) target(%arg11 : memref<4x128xi32, #tpu.memory_space<vmem>>) target_semaphore(%run_scoped3A : memref<!tpu.dma_semaphore, #tpu.memory_space<semaphore_mem>>)
      %dma_wait3A_272 = arith.constant 0 : i32
      %dma_wait3A_273 = tpu.memref_slice %arg2[%mul3A_4, %dma_wait3A_272] : memref<128x128xi32, #tpu.memory_space<hbm>> -> memref<4x128xi32, #tpu.memory_space<hbm>>
      %dma_wait3A_274 = arith.constant 0 : i32
      %dma_wait3A_275 = tpu.memref_slice %arg2[%mul3A_4, %dma_wait3A_274] : memref<128x128xi32, #tpu.memory_space<hbm>> -> memref<4x128xi32, #tpu.memory_space<hbm>>
      tpu.wait_dma2 semaphore(%run_scoped3A : memref<!tpu.dma_semaphore, #tpu.memory_space<semaphore_mem>>) src(%dma_wait3A_275 : memref<4x128xi32, #tpu.memory_space<hbm>>) dst(%arg11 : memref<4x128xi32, #tpu.memory_space<vmem>>)
      tpu.yield
    }) : () -> ()
    %mul3A_5 = arith.constant 4 : i32
    %mul3A_6 = arith.muli %add3A, %mul3A_5 : i32
    "tpu.region"() ({
      %run_scoped3A = tpu.sem_alloc : memref<!tpu.dma_semaphore, #tpu.memory_space<semaphore_mem>>
      %dma_start3A_268 = arith.constant 0 : i32
      %dma_start3A_269 = tpu.memref_slice %arg3[%mul3A_6, %dma_start3A_268] : memref<128x128xi32, #tpu.memory_space<hbm>> -> memref<4x128xi32, #tpu.memory_space<hbm>>
      %dma_start3A_270 = arith.constant 0 : i32
      %dma_start3A_271 = tpu.memref_slice %arg3[%mul3A_6, %dma_start3A_270] : memref<128x128xi32, #tpu.memory_space<hbm>> -> memref<4x128xi32, #tpu.memory_space<hbm>>
      tpu.enqueue_dma source(%dma_start3A_271 : memref<4x128xi32, #tpu.memory_space<hbm>>) target(%arg12 : memref<4x128xi32, #tpu.memory_space<vmem>>) target_semaphore(%run_scoped3A : memref<!tpu.dma_semaphore, #tpu.memory_space<semaphore_mem>>)
      %dma_wait3A_272 = arith.constant 0 : i32
      %dma_wait3A_273 = tpu.memref_slice %arg3[%mul3A_6, %dma_wait3A_272] : memref<128x128xi32, #tpu.memory_space<hbm>> -> memref<4x128xi32, #tpu.memory_space<hbm>>
      %dma_wait3A_274 = arith.constant 0 : i32
      %dma_wait3A_275 = tpu.memref_slice %arg3[%mul3A_6, %dma_wait3A_274] : memref<128x128xi32, #tpu.memory_space<hbm>> -> memref<4x128xi32, #tpu.memory_space<hbm>>
      tpu.wait_dma2 semaphore(%run_scoped3A : memref<!tpu.dma_semaphore, #tpu.memory_space<semaphore_mem>>) src(%dma_wait3A_275 : memref<4x128xi32, #tpu.memory_space<hbm>>) dst(%arg12 : memref<4x128xi32, #tpu.memory_space<vmem>>)
      tpu.yield
    }) : () -> ()
    %dma_start3A = arith.constant 0 : i32
    %dma_start3A_7 = arith.constant 0 : i32
    %dma_start3A_8 = tpu.memref_slice %arg17[%dma_start3A_7] : memref<512xf32, #tpu.memory_space<vmem>> -> memref<128xf32, #tpu.memory_space<vmem>>
    %dma_start3A_9 = arith.constant 0 : i32
    %dma_start3A_10 = tpu.memref_slice %arg11[%dma_start3A, %dma_start3A_9] : memref<4x128xi32, #tpu.memory_space<vmem>> -> memref<1x128xi32, #tpu.memory_space<vmem>>
    %dma_start3A_11 = tpu.memref_squeeze %dma_start3A_10 : memref<1x128xi32, #tpu.memory_space<vmem>> -> memref<128xi32, #tpu.memory_space<vmem>>
    %dma_start3A_12 = arith.constant 0 : i32
    %dma_start3A_13 = tpu.memref_slice %arg6[%dma_start3A_12] : memref<1000000xf32, #tpu.memory_space<hbm>> -> memref<1000000xf32, #tpu.memory_space<hbm>>
    tpu.enqueue_indirect_dma source(%dma_start3A_13 : memref<1000000xf32, #tpu.memory_space<hbm>>) target(%dma_start3A_8 : memref<128xf32, #tpu.memory_space<vmem>>) offsets(%dma_start3A_11 : memref<128xi32, #tpu.memory_space<vmem>>) semaphore(%arg21 : memref<!tpu.dma_semaphore, #tpu.memory_space<semaphore_mem>>)
    %dma_start3A_14 = arith.constant 0 : i32
    %dma_start3A_15 = arith.constant 0 : i32
    %dma_start3A_16 = tpu.memref_slice %arg18[%dma_start3A_15] : memref<512xf32, #tpu.memory_space<vmem>> -> memref<128xf32, #tpu.memory_space<vmem>>
    %dma_start3A_17 = arith.constant 0 : i32
    %dma_start3A_18 = tpu.memref_slice %arg12[%dma_start3A_14, %dma_start3A_17] : memref<4x128xi32, #tpu.memory_space<vmem>> -> memref<1x128xi32, #tpu.memory_space<vmem>>
    %dma_start3A_19 = tpu.memref_squeeze %dma_start3A_18 : memref<1x128xi32, #tpu.memory_space<vmem>> -> memref<128xi32, #tpu.memory_space<vmem>>
    %dma_start3A_20 = arith.constant 0 : i32
    %dma_start3A_21 = tpu.memref_slice %arg7[%dma_start3A_20] : memref<100000xf32, #tpu.memory_space<hbm>> -> memref<100000xf32, #tpu.memory_space<hbm>>
    tpu.enqueue_indirect_dma source(%dma_start3A_21 : memref<100000xf32, #tpu.memory_space<hbm>>) target(%dma_start3A_16 : memref<128xf32, #tpu.memory_space<vmem>>) offsets(%dma_start3A_19 : memref<128xi32, #tpu.memory_space<vmem>>) semaphore(%arg21 : memref<!tpu.dma_semaphore, #tpu.memory_space<semaphore_mem>>)
    %dma_start3A_22 = arith.constant 1 : i32
    %dma_start3A_23 = arith.constant 128 : i32
    %dma_start3A_24 = tpu.memref_slice %arg17[%dma_start3A_23] : memref<512xf32, #tpu.memory_space<vmem>> -> memref<128xf32, #tpu.memory_space<vmem>>
    %dma_start3A_25 = arith.constant 0 : i32
    %dma_start3A_26 = tpu.memref_slice %arg11[%dma_start3A_22, %dma_start3A_25] : memref<4x128xi32, #tpu.memory_space<vmem>> -> memref<1x128xi32, #tpu.memory_space<vmem>>
    %dma_start3A_27 = tpu.memref_squeeze %dma_start3A_26 : memref<1x128xi32, #tpu.memory_space<vmem>> -> memref<128xi32, #tpu.memory_space<vmem>>
    %dma_start3A_28 = arith.constant 0 : i32
    %dma_start3A_29 = tpu.memref_slice %arg6[%dma_start3A_28] : memref<1000000xf32, #tpu.memory_space<hbm>> -> memref<1000000xf32, #tpu.memory_space<hbm>>
    tpu.enqueue_indirect_dma source(%dma_start3A_29 : memref<1000000xf32, #tpu.memory_space<hbm>>) target(%dma_start3A_24 : memref<128xf32, #tpu.memory_space<vmem>>) offsets(%dma_start3A_27 : memref<128xi32, #tpu.memory_space<vmem>>) semaphore(%arg21 : memref<!tpu.dma_semaphore, #tpu.memory_space<semaphore_mem>>)
    %dma_start3A_30 = arith.constant 1 : i32
    %dma_start3A_31 = arith.constant 128 : i32
    %dma_start3A_32 = tpu.memref_slice %arg18[%dma_start3A_31] : memref<512xf32, #tpu.memory_space<vmem>> -> memref<128xf32, #tpu.memory_space<vmem>>
    %dma_start3A_33 = arith.constant 0 : i32
    %dma_start3A_34 = tpu.memref_slice %arg12[%dma_start3A_30, %dma_start3A_33] : memref<4x128xi32, #tpu.memory_space<vmem>> -> memref<1x128xi32, #tpu.memory_space<vmem>>
    %dma_start3A_35 = tpu.memref_squeeze %dma_start3A_34 : memref<1x128xi32, #tpu.memory_space<vmem>> -> memref<128xi32, #tpu.memory_space<vmem>>
    %dma_start3A_36 = arith.constant 0 : i32
    %dma_start3A_37 = tpu.memref_slice %arg7[%dma_start3A_36] : memref<100000xf32, #tpu.memory_space<hbm>> -> memref<100000xf32, #tpu.memory_space<hbm>>
    tpu.enqueue_indirect_dma source(%dma_start3A_37 : memref<100000xf32, #tpu.memory_space<hbm>>) target(%dma_start3A_32 : memref<128xf32, #tpu.memory_space<vmem>>) offsets(%dma_start3A_35 : memref<128xi32, #tpu.memory_space<vmem>>) semaphore(%arg21 : memref<!tpu.dma_semaphore, #tpu.memory_space<semaphore_mem>>)
    %dma_start3A_38 = arith.constant 2 : i32
    %dma_start3A_39 = arith.constant 256 : i32
    %dma_start3A_40 = tpu.memref_slice %arg17[%dma_start3A_39] : memref<512xf32, #tpu.memory_space<vmem>> -> memref<128xf32, #tpu.memory_space<vmem>>
    %dma_start3A_41 = arith.constant 0 : i32
    %dma_start3A_42 = tpu.memref_slice %arg11[%dma_start3A_38, %dma_start3A_41] : memref<4x128xi32, #tpu.memory_space<vmem>> -> memref<1x128xi32, #tpu.memory_space<vmem>>
    %dma_start3A_43 = tpu.memref_squeeze %dma_start3A_42 : memref<1x128xi32, #tpu.memory_space<vmem>> -> memref<128xi32, #tpu.memory_space<vmem>>
    %dma_start3A_44 = arith.constant 0 : i32
    %dma_start3A_45 = tpu.memref_slice %arg6[%dma_start3A_44] : memref<1000000xf32, #tpu.memory_space<hbm>> -> memref<1000000xf32, #tpu.memory_space<hbm>>
    tpu.enqueue_indirect_dma source(%dma_start3A_45 : memref<1000000xf32, #tpu.memory_space<hbm>>) target(%dma_start3A_40 : memref<128xf32, #tpu.memory_space<vmem>>) offsets(%dma_start3A_43 : memref<128xi32, #tpu.memory_space<vmem>>) semaphore(%arg21 : memref<!tpu.dma_semaphore, #tpu.memory_space<semaphore_mem>>)
    %dma_start3A_46 = arith.constant 2 : i32
    %dma_start3A_47 = arith.constant 256 : i32
    %dma_start3A_48 = tpu.memref_slice %arg18[%dma_start3A_47] : memref<512xf32, #tpu.memory_space<vmem>> -> memref<128xf32, #tpu.memory_space<vmem>>
    %dma_start3A_49 = arith.constant 0 : i32
    %dma_start3A_50 = tpu.memref_slice %arg12[%dma_start3A_46, %dma_start3A_49] : memref<4x128xi32, #tpu.memory_space<vmem>> -> memref<1x128xi32, #tpu.memory_space<vmem>>
    %dma_start3A_51 = tpu.memref_squeeze %dma_start3A_50 : memref<1x128xi32, #tpu.memory_space<vmem>> -> memref<128xi32, #tpu.memory_space<vmem>>
    %dma_start3A_52 = arith.constant 0 : i32
    %dma_start3A_53 = tpu.memref_slice %arg7[%dma_start3A_52] : memref<100000xf32, #tpu.memory_space<hbm>> -> memref<100000xf32, #tpu.memory_space<hbm>>
    tpu.enqueue_indirect_dma source(%dma_start3A_53 : memref<100000xf32, #tpu.memory_space<hbm>>) target(%dma_start3A_48 : memref<128xf32, #tpu.memory_space<vmem>>) offsets(%dma_start3A_51 : memref<128xi32, #tpu.memory_space<vmem>>) semaphore(%arg21 : memref<!tpu.dma_semaphore, #tpu.memory_space<semaphore_mem>>)
    %dma_start3A_54 = arith.constant 3 : i32
    %dma_start3A_55 = arith.constant 384 : i32
    %dma_start3A_56 = tpu.memref_slice %arg17[%dma_start3A_55] : memref<512xf32, #tpu.memory_space<vmem>> -> memref<128xf32, #tpu.memory_space<vmem>>
    %dma_start3A_57 = arith.constant 0 : i32
    %dma_start3A_58 = tpu.memref_slice %arg11[%dma_start3A_54, %dma_start3A_57] : memref<4x128xi32, #tpu.memory_space<vmem>> -> memref<1x128xi32, #tpu.memory_space<vmem>>
    %dma_start3A_59 = tpu.memref_squeeze %dma_start3A_58 : memref<1x128xi32, #tpu.memory_space<vmem>> -> memref<128xi32, #tpu.memory_space<vmem>>
    %dma_start3A_60 = arith.constant 0 : i32
    %dma_start3A_61 = tpu.memref_slice %arg6[%dma_start3A_60] : memref<1000000xf32, #tpu.memory_space<hbm>> -> memref<1000000xf32, #tpu.memory_space<hbm>>
    tpu.enqueue_indirect_dma source(%dma_start3A_61 : memref<1000000xf32, #tpu.memory_space<hbm>>) target(%dma_start3A_56 : memref<128xf32, #tpu.memory_space<vmem>>) offsets(%dma_start3A_59 : memref<128xi32, #tpu.memory_space<vmem>>) semaphore(%arg21 : memref<!tpu.dma_semaphore, #tpu.memory_space<semaphore_mem>>)
    %dma_start3A_62 = arith.constant 3 : i32
    %dma_start3A_63 = arith.constant 384 : i32
    %dma_start3A_64 = tpu.memref_slice %arg18[%dma_start3A_63] : memref<512xf32, #tpu.memory_space<vmem>> -> memref<128xf32, #tpu.memory_space<vmem>>
    %dma_start3A_65 = arith.constant 0 : i32
    %dma_start3A_66 = tpu.memref_slice %arg12[%dma_start3A_62, %dma_start3A_65] : memref<4x128xi32, #tpu.memory_space<vmem>> -> memref<1x128xi32, #tpu.memory_space<vmem>>
    %dma_start3A_67 = tpu.memref_squeeze %dma_start3A_66 : memref<1x128xi32, #tpu.memory_space<vmem>> -> memref<128xi32, #tpu.memory_space<vmem>>
    %dma_start3A_68 = arith.constant 0 : i32
    %dma_start3A_69 = tpu.memref_slice %arg7[%dma_start3A_68] : memref<100000xf32, #tpu.memory_space<hbm>> -> memref<100000xf32, #tpu.memory_space<hbm>>
    tpu.enqueue_indirect_dma source(%dma_start3A_69 : memref<100000xf32, #tpu.memory_space<hbm>>) target(%dma_start3A_64 : memref<128xf32, #tpu.memory_space<vmem>>) offsets(%dma_start3A_67 : memref<128xi32, #tpu.memory_space<vmem>>) semaphore(%arg21 : memref<!tpu.dma_semaphore, #tpu.memory_space<semaphore_mem>>)
    %dma_start3A_70 = arith.constant 0 : i32
    %dma_start3A_71 = arith.constant 0 : i32
    %dma_start3A_72 = tpu.memref_slice %arg11[%dma_start3A_70, %dma_start3A_71] : memref<4x128xi32, #tpu.memory_space<vmem>> -> memref<1x128xi32, #tpu.memory_space<vmem>>
    %dma_start3A_73 = tpu.memref_squeeze %dma_start3A_72 : memref<1x128xi32, #tpu.memory_space<vmem>> -> memref<128xi32, #tpu.memory_space<vmem>>
    %dma_start3A_74 = arith.constant 0 : i32
    %dma_start3A_75 = arith.constant 0 : i32
    %dma_start3A_76 = tpu.memref_slice %arg4[%dma_start3A_74, %dma_start3A_75] : memref<1000000x64xf32, #tpu.memory_space<hbm>> -> memref<1000000x64xf32, #tpu.memory_space<hbm>>
    tpu.enqueue_indirect_dma source(%dma_start3A_76 : memref<1000000x64xf32, #tpu.memory_space<hbm>>) target(%arg13 : memref<128x64xf32, #tpu.memory_space<vmem>>) offsets(%dma_start3A_73 : memref<128xi32, #tpu.memory_space<vmem>>) semaphore(%arg20 : memref<!tpu.dma_semaphore, #tpu.memory_space<semaphore_mem>>)
    %dma_start3A_77 = arith.constant 0 : i32
    %dma_start3A_78 = arith.constant 0 : i32
    %dma_start3A_79 = tpu.memref_slice %arg12[%dma_start3A_77, %dma_start3A_78] : memref<4x128xi32, #tpu.memory_space<vmem>> -> memref<1x128xi32, #tpu.memory_space<vmem>>
    %dma_start3A_80 = tpu.memref_squeeze %dma_start3A_79 : memref<1x128xi32, #tpu.memory_space<vmem>> -> memref<128xi32, #tpu.memory_space<vmem>>
    %dma_start3A_81 = arith.constant 0 : i32
    %dma_start3A_82 = arith.constant 0 : i32
    %dma_start3A_83 = tpu.memref_slice %arg5[%dma_start3A_81, %dma_start3A_82] : memref<100000x64xf32, #tpu.memory_space<hbm>> -> memref<100000x64xf32, #tpu.memory_space<hbm>>
    tpu.enqueue_indirect_dma source(%dma_start3A_83 : memref<100000x64xf32, #tpu.memory_space<hbm>>) target(%arg15 : memref<128x64xf32, #tpu.memory_space<vmem>>) offsets(%dma_start3A_80 : memref<128xi32, #tpu.memory_space<vmem>>) semaphore(%arg20 : memref<!tpu.dma_semaphore, #tpu.memory_space<semaphore_mem>>)
    %dma_start3A_84 = arith.constant 1 : i32
    %dma_start3A_85 = arith.constant 0 : i32
    %dma_start3A_86 = tpu.memref_slice %arg11[%dma_start3A_84, %dma_start3A_85] : memref<4x128xi32, #tpu.memory_space<vmem>> -> memref<1x128xi32, #tpu.memory_space<vmem>>
    %dma_start3A_87 = tpu.memref_squeeze %dma_start3A_86 : memref<1x128xi32, #tpu.memory_space<vmem>> -> memref<128xi32, #tpu.memory_space<vmem>>
    %dma_start3A_88 = arith.constant 0 : i32
    %dma_start3A_89 = arith.constant 0 : i32
    %dma_start3A_90 = tpu.memref_slice %arg4[%dma_start3A_88, %dma_start3A_89] : memref<1000000x64xf32, #tpu.memory_space<hbm>> -> memref<1000000x64xf32, #tpu.memory_space<hbm>>
    tpu.enqueue_indirect_dma source(%dma_start3A_90 : memref<1000000x64xf32, #tpu.memory_space<hbm>>) target(%arg14 : memref<128x64xf32, #tpu.memory_space<vmem>>) offsets(%dma_start3A_87 : memref<128xi32, #tpu.memory_space<vmem>>) semaphore(%arg20 : memref<!tpu.dma_semaphore, #tpu.memory_space<semaphore_mem>>)
    %dma_start3A_91 = arith.constant 1 : i32
    %dma_start3A_92 = arith.constant 0 : i32
    %dma_start3A_93 = tpu.memref_slice %arg12[%dma_start3A_91, %dma_start3A_92] : memref<4x128xi32, #tpu.memory_space<vmem>> -> memref<1x128xi32, #tpu.memory_space<vmem>>
    %dma_start3A_94 = tpu.memref_squeeze %dma_start3A_93 : memref<1x128xi32, #tpu.memory_space<vmem>> -> memref<128xi32, #tpu.memory_space<vmem>>
    %dma_start3A_95 = arith.constant 0 : i32
    %dma_start3A_96 = arith.constant 0 : i32
    %dma_start3A_97 = tpu.memref_slice %arg5[%dma_start3A_95, %dma_start3A_96] : memref<100000x64xf32, #tpu.memory_space<hbm>> -> memref<100000x64xf32, #tpu.memory_space<hbm>>
    tpu.enqueue_indirect_dma source(%dma_start3A_97 : memref<100000x64xf32, #tpu.memory_space<hbm>>) target(%arg16 : memref<128x64xf32, #tpu.memory_space<vmem>>) offsets(%dma_start3A_94 : memref<128xi32, #tpu.memory_space<vmem>>) semaphore(%arg20 : memref<!tpu.dma_semaphore, #tpu.memory_space<semaphore_mem>>)
    %dma_wait3A = arith.constant 0 : i32
    %dma_wait3A_98 = arith.constant 0 : i32
    %dma_wait3A_99 = tpu.memref_slice %arg11[%dma_wait3A, %dma_wait3A_98] : memref<4x128xi32, #tpu.memory_space<vmem>> -> memref<1x128xi32, #tpu.memory_space<vmem>>
    %dma_wait3A_100 = tpu.memref_squeeze %dma_wait3A_99 : memref<1x128xi32, #tpu.memory_space<vmem>> -> memref<128xi32, #tpu.memory_space<vmem>>
    %dma_wait3A_101 = arith.constant 0 : i32
    %dma_wait3A_102 = arith.constant 0 : i32
    %dma_wait3A_103 = tpu.memref_slice %arg4[%dma_wait3A_101, %dma_wait3A_102] : memref<1000000x64xf32, #tpu.memory_space<hbm>> -> memref<1000000x64xf32, #tpu.memory_space<hbm>>
    tpu.wait_indirect_dma semaphore(%arg20 : memref<!tpu.dma_semaphore, #tpu.memory_space<semaphore_mem>>) src(%dma_wait3A_103 : memref<1000000x64xf32, #tpu.memory_space<hbm>>) dst(%arg13 : memref<128x64xf32, #tpu.memory_space<vmem>>)
    %dma_wait3A_104 = arith.constant 0 : i32
    %dma_wait3A_105 = arith.constant 0 : i32
    %dma_wait3A_106 = tpu.memref_slice %arg12[%dma_wait3A_104, %dma_wait3A_105] : memref<4x128xi32, #tpu.memory_space<vmem>> -> memref<1x128xi32, #tpu.memory_space<vmem>>
    %dma_wait3A_107 = tpu.memref_squeeze %dma_wait3A_106 : memref<1x128xi32, #tpu.memory_space<vmem>> -> memref<128xi32, #tpu.memory_space<vmem>>
    %dma_wait3A_108 = arith.constant 0 : i32
    %dma_wait3A_109 = arith.constant 0 : i32
    %dma_wait3A_110 = tpu.memref_slice %arg5[%dma_wait3A_108, %dma_wait3A_109] : memref<100000x64xf32, #tpu.memory_space<hbm>> -> memref<100000x64xf32, #tpu.memory_space<hbm>>
    tpu.wait_indirect_dma semaphore(%arg20 : memref<!tpu.dma_semaphore, #tpu.memory_space<semaphore_mem>>) src(%dma_wait3A_110 : memref<100000x64xf32, #tpu.memory_space<hbm>>) dst(%arg15 : memref<128x64xf32, #tpu.memory_space<vmem>>)
    %scan3A = arith.constant 0 : i32
    %scan3A_111 = arith.constant 0 : i32
    %scan3A_112 = arith.constant 128 : i32
    %scan3A_113 = arith.addi %scan3A_111, %scan3A_112 : i32
    %scan3A_114 = arith.constant 1 : i32
    scf.for %scan3A_268 = %scan3A_111 to %scan3A_113 step %scan3A_114  : i32 {
      %add3A_269 = arith.constant 0 : i32
      %add3A_270 = arith.addi %add3A_269, %scan3A_268 : i32
      %broadcast_in_dim3A = arith.constant 0.000000e+00 : f32
      %broadcast_in_dim3A_271 = vector.broadcast %broadcast_in_dim3A : f32 to vector<16xf32>
      %get3A = arith.index_cast %scan3A_268 : i32 to index
      %get3A_272 = arith.constant 0 : index
      %get3A_273 = tpu.vector_load %arg13[%get3A, %get3A_272] {strides = array<i32>} : memref<128x64xf32, #tpu.memory_space<vmem>>, vector<1x16xf32>,
      %get3A_274 = vector.shape_cast %get3A_273 : vector<1x16xf32> to vector<16xf32>
      %get3A_275 = arith.index_cast %scan3A_268 : i32 to index
      %get3A_276 = arith.constant 0 : index
      %get3A_277 = tpu.vector_load %arg15[%get3A_275, %get3A_276] {strides = array<i32>} : memref<128x64xf32, #tpu.memory_space<vmem>>, vector<1x16xf32>,
      %get3A_278 = vector.shape_cast %get3A_277 : vector<1x16xf32> to vector<16xf32>
      %mul3A_279 = arith.mulf %get3A_274, %get3A_278 : vector<16xf32>
      %add3A_280 = arith.addf %broadcast_in_dim3A_271, %mul3A_279 : vector<16xf32>
      %get3A_281 = arith.index_cast %scan3A_268 : i32 to index
      %get3A_282 = arith.constant 16 : index
      %get3A_283 = tpu.vector_load %arg13[%get3A_281, %get3A_282] {strides = array<i32>} : memref<128x64xf32, #tpu.memory_space<vmem>>, vector<1x16xf32>,
      %get3A_284 = vector.shape_cast %get3A_283 : vector<1x16xf32> to vector<16xf32>
      %get3A_285 = arith.index_cast %scan3A_268 : i32 to index
      %get3A_286 = arith.constant 16 : index
      %get3A_287 = tpu.vector_load %arg15[%get3A_285, %get3A_286] {strides = array<i32>} : memref<128x64xf32, #tpu.memory_space<vmem>>, vector<1x16xf32>,
      %get3A_288 = vector.shape_cast %get3A_287 : vector<1x16xf32> to vector<16xf32>
      %mul3A_289 = arith.mulf %get3A_284, %get3A_288 : vector<16xf32>
      %add3A_290 = arith.addf %add3A_280, %mul3A_289 : vector<16xf32>
      %get3A_291 = arith.index_cast %scan3A_268 : i32 to index
      %get3A_292 = arith.constant 32 : index
      %get3A_293 = tpu.vector_load %arg13[%get3A_291, %get3A_292] {strides = array<i32>} : memref<128x64xf32, #tpu.memory_space<vmem>>, vector<1x16xf32>,
      %get3A_294 = vector.shape_cast %get3A_293 : vector<1x16xf32> to vector<16xf32>
      %get3A_295 = arith.index_cast %scan3A_268 : i32 to index
      %get3A_296 = arith.constant 32 : index
      %get3A_297 = tpu.vector_load %arg15[%get3A_295, %get3A_296] {strides = array<i32>} : memref<128x64xf32, #tpu.memory_space<vmem>>, vector<1x16xf32>,
      %get3A_298 = vector.shape_cast %get3A_297 : vector<1x16xf32> to vector<16xf32>
      %mul3A_299 = arith.mulf %get3A_294, %get3A_298 : vector<16xf32>
      %add3A_300 = arith.addf %add3A_290, %mul3A_299 : vector<16xf32>
      %get3A_301 = arith.index_cast %scan3A_268 : i32 to index
      %get3A_302 = arith.constant 48 : index
      %get3A_303 = tpu.vector_load %arg13[%get3A_301, %get3A_302] {strides = array<i32>} : memref<128x64xf32, #tpu.memory_space<vmem>>, vector<1x16xf32>,
      %get3A_304 = vector.shape_cast %get3A_303 : vector<1x16xf32> to vector<16xf32>
      %get3A_305 = arith.index_cast %scan3A_268 : i32 to index
      %get3A_306 = arith.constant 48 : index
      %get3A_307 = tpu.vector_load %arg15[%get3A_305, %get3A_306] {strides = array<i32>} : memref<128x64xf32, #tpu.memory_space<vmem>>, vector<1x16xf32>,
      %get3A_308 = vector.shape_cast %get3A_307 : vector<1x16xf32> to vector<16xf32>
      %mul3A_309 = arith.mulf %get3A_304, %get3A_308 : vector<16xf32>
      %add3A_310 = arith.addf %add3A_300, %mul3A_309 : vector<16xf32>
      %swap3A = arith.index_cast %add3A_270 : i32 to index
      %swap3A_311 = arith.constant 0 : index
      %swap3A_312 = tpu.vector_load %arg19[%swap3A, %swap3A_311] {strides = array<i32>} : memref<512x16xf32, #tpu.memory_space<vmem>>, vector<1x16xf32>,
      %swap3A_313 = vector.shape_cast %swap3A_312 : vector<1x16xf32> to vector<16xf32>
      %swap3A_314 = vector.shape_cast %add3A_310 : vector<16xf32> to vector<1x16xf32>
      tpu.vector_store %arg19[%swap3A, %swap3A_311], %swap3A_314 {strides = array<i32>} : memref<512x16xf32, #tpu.memory_space<vmem>>, vector<1x16xf32>,
    }
    %scan3A_115 = arith.constant 128 : i32
    %dma_start3A_116 = arith.constant 2 : i32
    %dma_start3A_117 = arith.constant 0 : i32
    %dma_start3A_118 = tpu.memref_slice %arg11[%dma_start3A_116, %dma_start3A_117] : memref<4x128xi32, #tpu.memory_space<vmem>> -> memref<1x128xi32, #tpu.memory_space<vmem>>
    %dma_start3A_119 = tpu.memref_squeeze %dma_start3A_118 : memref<1x128xi32, #tpu.memory_space<vmem>> -> memref<128xi32, #tpu.memory_space<vmem>>
    %dma_start3A_120 = arith.constant 0 : i32
    %dma_start3A_121 = arith.constant 0 : i32
    %dma_start3A_122 = tpu.memref_slice %arg4[%dma_start3A_120, %dma_start3A_121] : memref<1000000x64xf32, #tpu.memory_space<hbm>> -> memref<1000000x64xf32, #tpu.memory_space<hbm>>
    tpu.enqueue_indirect_dma source(%dma_start3A_122 : memref<1000000x64xf32, #tpu.memory_space<hbm>>) target(%arg13 : memref<128x64xf32, #tpu.memory_space<vmem>>) offsets(%dma_start3A_119 : memref<128xi32, #tpu.memory_space<vmem>>) semaphore(%arg20 : memref<!tpu.dma_semaphore, #tpu.memory_space<semaphore_mem>>)
    %dma_start3A_123 = arith.constant 2 : i32
    %dma_start3A_124 = arith.constant 0 : i32
    %dma_start3A_125 = tpu.memref_slice %arg12[%dma_start3A_123, %dma_start3A_124] : memref<4x128xi32, #tpu.memory_space<vmem>> -> memref<1x128xi32, #tpu.memory_space<vmem>>
    %dma_start3A_126 = tpu.memref_squeeze %dma_start3A_125 : memref<1x128xi32, #tpu.memory_space<vmem>> -> memref<128xi32, #tpu.memory_space<vmem>>
    %dma_start3A_127 = arith.constant 0 : i32
    %dma_start3A_128 = arith.constant 0 : i32
    %dma_start3A_129 = tpu.memref_slice %arg5[%dma_start3A_127, %dma_start3A_128] : memref<100000x64xf32, #tpu.memory_space<hbm>> -> memref<100000x64xf32, #tpu.memory_space<hbm>>
    tpu.enqueue_indirect_dma source(%dma_start3A_129 : memref<100000x64xf32, #tpu.memory_space<hbm>>) target(%arg15 : memref<128x64xf32, #tpu.memory_space<vmem>>) offsets(%dma_start3A_126 : memref<128xi32, #tpu.memory_space<vmem>>) semaphore(%arg20 : memref<!tpu.dma_semaphore, #tpu.memory_space<semaphore_mem>>)
    %dma_wait3A_130 = arith.constant 1 : i32
    %dma_wait3A_131 = arith.constant 0 : i32
    %dma_wait3A_132 = tpu.memref_slice %arg11[%dma_wait3A_130, %dma_wait3A_131] : memref<4x128xi32, #tpu.memory_space<vmem>> -> memref<1x128xi32, #tpu.memory_space<vmem>>
    %dma_wait3A_133 = tpu.memref_squeeze %dma_wait3A_132 : memref<1x128xi32, #tpu.memory_space<vmem>> -> memref<128xi32, #tpu.memory_space<vmem>>
    %dma_wait3A_134 = arith.constant 0 : i32
    %dma_wait3A_135 = arith.constant 0 : i32
    %dma_wait3A_136 = tpu.memref_slice %arg4[%dma_wait3A_134, %dma_wait3A_135] : memref<1000000x64xf32, #tpu.memory_space<hbm>> -> memref<1000000x64xf32, #tpu.memory_space<hbm>>
    tpu.wait_indirect_dma semaphore(%arg20 : memref<!tpu.dma_semaphore, #tpu.memory_space<semaphore_mem>>) src(%dma_wait3A_136 : memref<1000000x64xf32, #tpu.memory_space<hbm>>) dst(%arg14 : memref<128x64xf32, #tpu.memory_space<vmem>>)
    %dma_wait3A_137 = arith.constant 1 : i32
    %dma_wait3A_138 = arith.constant 0 : i32
    %dma_wait3A_139 = tpu.memref_slice %arg12[%dma_wait3A_137, %dma_wait3A_138] : memref<4x128xi32, #tpu.memory_space<vmem>> -> memref<1x128xi32, #tpu.memory_space<vmem>>
    %dma_wait3A_140 = tpu.memref_squeeze %dma_wait3A_139 : memref<1x128xi32, #tpu.memory_space<vmem>> -> memref<128xi32, #tpu.memory_space<vmem>>
    %dma_wait3A_141 = arith.constant 0 : i32
    %dma_wait3A_142 = arith.constant 0 : i32
    %dma_wait3A_143 = tpu.memref_slice %arg5[%dma_wait3A_141, %dma_wait3A_142] : memref<100000x64xf32, #tpu.memory_space<hbm>> -> memref<100000x64xf32, #tpu.memory_space<hbm>>
    tpu.wait_indirect_dma semaphore(%arg20 : memref<!tpu.dma_semaphore, #tpu.memory_space<semaphore_mem>>) src(%dma_wait3A_143 : memref<100000x64xf32, #tpu.memory_space<hbm>>) dst(%arg16 : memref<128x64xf32, #tpu.memory_space<vmem>>)
    %scan3A_144 = arith.constant 0 : i32
    %scan3A_145 = arith.constant 0 : i32
    %scan3A_146 = arith.constant 128 : i32
    %scan3A_147 = arith.addi %scan3A_145, %scan3A_146 : i32
    %scan3A_148 = arith.constant 1 : i32
    scf.for %scan3A_268 = %scan3A_145 to %scan3A_147 step %scan3A_148  : i32 {
      %add3A_269 = arith.constant 128 : i32
      %add3A_270 = arith.addi %add3A_269, %scan3A_268 : i32
      %broadcast_in_dim3A = arith.constant 0.000000e+00 : f32
      %broadcast_in_dim3A_271 = vector.broadcast %broadcast_in_dim3A : f32 to vector<16xf32>
      %get3A = arith.index_cast %scan3A_268 : i32 to index
      %get3A_272 = arith.constant 0 : index
      %get3A_273 = tpu.vector_load %arg14[%get3A, %get3A_272] {strides = array<i32>} : memref<128x64xf32, #tpu.memory_space<vmem>>, vector<1x16xf32>,
      %get3A_274 = vector.shape_cast %get3A_273 : vector<1x16xf32> to vector<16xf32>
      %get3A_275 = arith.index_cast %scan3A_268 : i32 to index
      %get3A_276 = arith.constant 0 : index
      %get3A_277 = tpu.vector_load %arg16[%get3A_275, %get3A_276] {strides = array<i32>} : memref<128x64xf32, #tpu.memory_space<vmem>>, vector<1x16xf32>,
      %get3A_278 = vector.shape_cast %get3A_277 : vector<1x16xf32> to vector<16xf32>
      %mul3A_279 = arith.mulf %get3A_274, %get3A_278 : vector<16xf32>
      %add3A_280 = arith.addf %broadcast_in_dim3A_271, %mul3A_279 : vector<16xf32>
      %get3A_281 = arith.index_cast %scan3A_268 : i32 to index
      %get3A_282 = arith.constant 16 : index
      %get3A_283 = tpu.vector_load %arg14[%get3A_281, %get3A_282] {strides = array<i32>} : memref<128x64xf32, #tpu.memory_space<vmem>>, vector<1x16xf32>,
      %get3A_284 = vector.shape_cast %get3A_283 : vector<1x16xf32> to vector<16xf32>
      %get3A_285 = arith.index_cast %scan3A_268 : i32 to index
      %get3A_286 = arith.constant 16 : index
      %get3A_287 = tpu.vector_load %arg16[%get3A_285, %get3A_286] {strides = array<i32>} : memref<128x64xf32, #tpu.memory_space<vmem>>, vector<1x16xf32>,
      %get3A_288 = vector.shape_cast %get3A_287 : vector<1x16xf32> to vector<16xf32>
      %mul3A_289 = arith.mulf %get3A_284, %get3A_288 : vector<16xf32>
      %add3A_290 = arith.addf %add3A_280, %mul3A_289 : vector<16xf32>
      %get3A_291 = arith.index_cast %scan3A_268 : i32 to index
      %get3A_292 = arith.constant 32 : index
      %get3A_293 = tpu.vector_load %arg14[%get3A_291, %get3A_292] {strides = array<i32>} : memref<128x64xf32, #tpu.memory_space<vmem>>, vector<1x16xf32>,
      %get3A_294 = vector.shape_cast %get3A_293 : vector<1x16xf32> to vector<16xf32>
      %get3A_295 = arith.index_cast %scan3A_268 : i32 to index
      %get3A_296 = arith.constant 32 : index
      %get3A_297 = tpu.vector_load %arg16[%get3A_295, %get3A_296] {strides = array<i32>} : memref<128x64xf32, #tpu.memory_space<vmem>>, vector<1x16xf32>,
      %get3A_298 = vector.shape_cast %get3A_297 : vector<1x16xf32> to vector<16xf32>
      %mul3A_299 = arith.mulf %get3A_294, %get3A_298 : vector<16xf32>
      %add3A_300 = arith.addf %add3A_290, %mul3A_299 : vector<16xf32>
      %get3A_301 = arith.index_cast %scan3A_268 : i32 to index
      %get3A_302 = arith.constant 48 : index
      %get3A_303 = tpu.vector_load %arg14[%get3A_301, %get3A_302] {strides = array<i32>} : memref<128x64xf32, #tpu.memory_space<vmem>>, vector<1x16xf32>,
      %get3A_304 = vector.shape_cast %get3A_303 : vector<1x16xf32> to vector<16xf32>
      %get3A_305 = arith.index_cast %scan3A_268 : i32 to index
      %get3A_306 = arith.constant 48 : index
      %get3A_307 = tpu.vector_load %arg16[%get3A_305, %get3A_306] {strides = array<i32>} : memref<128x64xf32, #tpu.memory_space<vmem>>, vector<1x16xf32>,
      %get3A_308 = vector.shape_cast %get3A_307 : vector<1x16xf32> to vector<16xf32>
      %mul3A_309 = arith.mulf %get3A_304, %get3A_308 : vector<16xf32>
      %add3A_310 = arith.addf %add3A_300, %mul3A_309 : vector<16xf32>
      %swap3A = arith.index_cast %add3A_270 : i32 to index
      %swap3A_311 = arith.constant 0 : index
      %swap3A_312 = tpu.vector_load %arg19[%swap3A, %swap3A_311] {strides = array<i32>} : memref<512x16xf32, #tpu.memory_space<vmem>>, vector<1x16xf32>,
      %swap3A_313 = vector.shape_cast %swap3A_312 : vector<1x16xf32> to vector<16xf32>
      %swap3A_314 = vector.shape_cast %add3A_310 : vector<16xf32> to vector<1x16xf32>
      tpu.vector_store %arg19[%swap3A, %swap3A_311], %swap3A_314 {strides = array<i32>} : memref<512x16xf32, #tpu.memory_space<vmem>>, vector<1x16xf32>,
    }
    %scan3A_149 = arith.constant 128 : i32
    %dma_start3A_150 = arith.constant 3 : i32
    %dma_start3A_151 = arith.constant 0 : i32
    %dma_start3A_152 = tpu.memref_slice %arg11[%dma_start3A_150, %dma_start3A_151] : memref<4x128xi32, #tpu.memory_space<vmem>> -> memref<1x128xi32, #tpu.memory_space<vmem>>
    %dma_start3A_153 = tpu.memref_squeeze %dma_start3A_152 : memref<1x128xi32, #tpu.memory_space<vmem>> -> memref<128xi32, #tpu.memory_space<vmem>>
    %dma_start3A_154 = arith.constant 0 : i32
    %dma_start3A_155 = arith.constant 0 : i32
    %dma_start3A_156 = tpu.memref_slice %arg4[%dma_start3A_154, %dma_start3A_155] : memref<1000000x64xf32, #tpu.memory_space<hbm>> -> memref<1000000x64xf32, #tpu.memory_space<hbm>>
    tpu.enqueue_indirect_dma source(%dma_start3A_156 : memref<1000000x64xf32, #tpu.memory_space<hbm>>) target(%arg14 : memref<128x64xf32, #tpu.memory_space<vmem>>) offsets(%dma_start3A_153 : memref<128xi32, #tpu.memory_space<vmem>>) semaphore(%arg20 : memref<!tpu.dma_semaphore, #tpu.memory_space<semaphore_mem>>)
    %dma_start3A_157 = arith.constant 3 : i32
    %dma_start3A_158 = arith.constant 0 : i32
    %dma_start3A_159 = tpu.memref_slice %arg12[%dma_start3A_157, %dma_start3A_158] : memref<4x128xi32, #tpu.memory_space<vmem>> -> memref<1x128xi32, #tpu.memory_space<vmem>>
    %dma_start3A_160 = tpu.memref_squeeze %dma_start3A_159 : memref<1x128xi32, #tpu.memory_space<vmem>> -> memref<128xi32, #tpu.memory_space<vmem>>
    %dma_start3A_161 = arith.constant 0 : i32
    %dma_start3A_162 = arith.constant 0 : i32
    %dma_start3A_163 = tpu.memref_slice %arg5[%dma_start3A_161, %dma_start3A_162] : memref<100000x64xf32, #tpu.memory_space<hbm>> -> memref<100000x64xf32, #tpu.memory_space<hbm>>
    tpu.enqueue_indirect_dma source(%dma_start3A_163 : memref<100000x64xf32, #tpu.memory_space<hbm>>) target(%arg16 : memref<128x64xf32, #tpu.memory_space<vmem>>) offsets(%dma_start3A_160 : memref<128xi32, #tpu.memory_space<vmem>>) semaphore(%arg20 : memref<!tpu.dma_semaphore, #tpu.memory_space<semaphore_mem>>)
    %dma_wait3A_164 = arith.constant 2 : i32
    %dma_wait3A_165 = arith.constant 0 : i32
    %dma_wait3A_166 = tpu.memref_slice %arg11[%dma_wait3A_164, %dma_wait3A_165] : memref<4x128xi32, #tpu.memory_space<vmem>> -> memref<1x128xi32, #tpu.memory_space<vmem>>
    %dma_wait3A_167 = tpu.memref_squeeze %dma_wait3A_166 : memref<1x128xi32, #tpu.memory_space<vmem>> -> memref<128xi32, #tpu.memory_space<vmem>>
    %dma_wait3A_168 = arith.constant 0 : i32
    %dma_wait3A_169 = arith.constant 0 : i32
    %dma_wait3A_170 = tpu.memref_slice %arg4[%dma_wait3A_168, %dma_wait3A_169] : memref<1000000x64xf32, #tpu.memory_space<hbm>> -> memref<1000000x64xf32, #tpu.memory_space<hbm>>
    tpu.wait_indirect_dma semaphore(%arg20 : memref<!tpu.dma_semaphore, #tpu.memory_space<semaphore_mem>>) src(%dma_wait3A_170 : memref<1000000x64xf32, #tpu.memory_space<hbm>>) dst(%arg13 : memref<128x64xf32, #tpu.memory_space<vmem>>)
    %dma_wait3A_171 = arith.constant 2 : i32
    %dma_wait3A_172 = arith.constant 0 : i32
    %dma_wait3A_173 = tpu.memref_slice %arg12[%dma_wait3A_171, %dma_wait3A_172] : memref<4x128xi32, #tpu.memory_space<vmem>> -> memref<1x128xi32, #tpu.memory_space<vmem>>
    %dma_wait3A_174 = tpu.memref_squeeze %dma_wait3A_173 : memref<1x128xi32, #tpu.memory_space<vmem>> -> memref<128xi32, #tpu.memory_space<vmem>>
    %dma_wait3A_175 = arith.constant 0 : i32
    %dma_wait3A_176 = arith.constant 0 : i32
    %dma_wait3A_177 = tpu.memref_slice %arg5[%dma_wait3A_175, %dma_wait3A_176] : memref<100000x64xf32, #tpu.memory_space<hbm>> -> memref<100000x64xf32, #tpu.memory_space<hbm>>
    tpu.wait_indirect_dma semaphore(%arg20 : memref<!tpu.dma_semaphore, #tpu.memory_space<semaphore_mem>>) src(%dma_wait3A_177 : memref<100000x64xf32, #tpu.memory_space<hbm>>) dst(%arg15 : memref<128x64xf32, #tpu.memory_space<vmem>>)
    %scan3A_178 = arith.constant 0 : i32
    %scan3A_179 = arith.constant 0 : i32
    %scan3A_180 = arith.constant 128 : i32
    %scan3A_181 = arith.addi %scan3A_179, %scan3A_180 : i32
    %scan3A_182 = arith.constant 1 : i32
    scf.for %scan3A_268 = %scan3A_179 to %scan3A_181 step %scan3A_182  : i32 {
      %add3A_269 = arith.constant 256 : i32
      %add3A_270 = arith.addi %add3A_269, %scan3A_268 : i32
      %broadcast_in_dim3A = arith.constant 0.000000e+00 : f32
      %broadcast_in_dim3A_271 = vector.broadcast %broadcast_in_dim3A : f32 to vector<16xf32>
      %get3A = arith.index_cast %scan3A_268 : i32 to index
      %get3A_272 = arith.constant 0 : index
      %get3A_273 = tpu.vector_load %arg13[%get3A, %get3A_272] {strides = array<i32>} : memref<128x64xf32, #tpu.memory_space<vmem>>, vector<1x16xf32>,
      %get3A_274 = vector.shape_cast %get3A_273 : vector<1x16xf32> to vector<16xf32>
      %get3A_275 = arith.index_cast %scan3A_268 : i32 to index
      %get3A_276 = arith.constant 0 : index
      %get3A_277 = tpu.vector_load %arg15[%get3A_275, %get3A_276] {strides = array<i32>} : memref<128x64xf32, #tpu.memory_space<vmem>>, vector<1x16xf32>,
      %get3A_278 = vector.shape_cast %get3A_277 : vector<1x16xf32> to vector<16xf32>
      %mul3A_279 = arith.mulf %get3A_274, %get3A_278 : vector<16xf32>
      %add3A_280 = arith.addf %broadcast_in_dim3A_271, %mul3A_279 : vector<16xf32>
      %get3A_281 = arith.index_cast %scan3A_268 : i32 to index
      %get3A_282 = arith.constant 16 : index
      %get3A_283 = tpu.vector_load %arg13[%get3A_281, %get3A_282] {strides = array<i32>} : memref<128x64xf32, #tpu.memory_space<vmem>>, vector<1x16xf32>,
      %get3A_284 = vector.shape_cast %get3A_283 : vector<1x16xf32> to vector<16xf32>
      %get3A_285 = arith.index_cast %scan3A_268 : i32 to index
      %get3A_286 = arith.constant 16 : index
      %get3A_287 = tpu.vector_load %arg15[%get3A_285, %get3A_286] {strides = array<i32>} : memref<128x64xf32, #tpu.memory_space<vmem>>, vector<1x16xf32>,
      %get3A_288 = vector.shape_cast %get3A_287 : vector<1x16xf32> to vector<16xf32>
      %mul3A_289 = arith.mulf %get3A_284, %get3A_288 : vector<16xf32>
      %add3A_290 = arith.addf %add3A_280, %mul3A_289 : vector<16xf32>
      %get3A_291 = arith.index_cast %scan3A_268 : i32 to index
      %get3A_292 = arith.constant 32 : index
      %get3A_293 = tpu.vector_load %arg13[%get3A_291, %get3A_292] {strides = array<i32>} : memref<128x64xf32, #tpu.memory_space<vmem>>, vector<1x16xf32>,
      %get3A_294 = vector.shape_cast %get3A_293 : vector<1x16xf32> to vector<16xf32>
      %get3A_295 = arith.index_cast %scan3A_268 : i32 to index
      %get3A_296 = arith.constant 32 : index
      %get3A_297 = tpu.vector_load %arg15[%get3A_295, %get3A_296] {strides = array<i32>} : memref<128x64xf32, #tpu.memory_space<vmem>>, vector<1x16xf32>,
      %get3A_298 = vector.shape_cast %get3A_297 : vector<1x16xf32> to vector<16xf32>
      %mul3A_299 = arith.mulf %get3A_294, %get3A_298 : vector<16xf32>
      %add3A_300 = arith.addf %add3A_290, %mul3A_299 : vector<16xf32>
      %get3A_301 = arith.index_cast %scan3A_268 : i32 to index
      %get3A_302 = arith.constant 48 : index
      %get3A_303 = tpu.vector_load %arg13[%get3A_301, %get3A_302] {strides = array<i32>} : memref<128x64xf32, #tpu.memory_space<vmem>>, vector<1x16xf32>,
      %get3A_304 = vector.shape_cast %get3A_303 : vector<1x16xf32> to vector<16xf32>
      %get3A_305 = arith.index_cast %scan3A_268 : i32 to index
      %get3A_306 = arith.constant 48 : index
      %get3A_307 = tpu.vector_load %arg15[%get3A_305, %get3A_306] {strides = array<i32>} : memref<128x64xf32, #tpu.memory_space<vmem>>, vector<1x16xf32>,
      %get3A_308 = vector.shape_cast %get3A_307 : vector<1x16xf32> to vector<16xf32>
      %mul3A_309 = arith.mulf %get3A_304, %get3A_308 : vector<16xf32>
      %add3A_310 = arith.addf %add3A_300, %mul3A_309 : vector<16xf32>
      %swap3A = arith.index_cast %add3A_270 : i32 to index
      %swap3A_311 = arith.constant 0 : index
      %swap3A_312 = tpu.vector_load %arg19[%swap3A, %swap3A_311] {strides = array<i32>} : memref<512x16xf32, #tpu.memory_space<vmem>>, vector<1x16xf32>,
      %swap3A_313 = vector.shape_cast %swap3A_312 : vector<1x16xf32> to vector<16xf32>
      %swap3A_314 = vector.shape_cast %add3A_310 : vector<16xf32> to vector<1x16xf32>
      tpu.vector_store %arg19[%swap3A, %swap3A_311], %swap3A_314 {strides = array<i32>} : memref<512x16xf32, #tpu.memory_space<vmem>>, vector<1x16xf32>,
    }
    %scan3A_183 = arith.constant 128 : i32
    %dma_wait3A_184 = arith.constant 3 : i32
    %dma_wait3A_185 = arith.constant 0 : i32
    %dma_wait3A_186 = tpu.memref_slice %arg11[%dma_wait3A_184, %dma_wait3A_185] : memref<4x128xi32, #tpu.memory_space<vmem>> -> memref<1x128xi32, #tpu.memory_space<vmem>>
    %dma_wait3A_187 = tpu.memref_squeeze %dma_wait3A_186 : memref<1x128xi32, #tpu.memory_space<vmem>> -> memref<128xi32, #tpu.memory_space<vmem>>
    %dma_wait3A_188 = arith.constant 0 : i32
    %dma_wait3A_189 = arith.constant 0 : i32
    %dma_wait3A_190 = tpu.memref_slice %arg4[%dma_wait3A_188, %dma_wait3A_189] : memref<1000000x64xf32, #tpu.memory_space<hbm>> -> memref<1000000x64xf32, #tpu.memory_space<hbm>>
    tpu.wait_indirect_dma semaphore(%arg20 : memref<!tpu.dma_semaphore, #tpu.memory_space<semaphore_mem>>) src(%dma_wait3A_190 : memref<1000000x64xf32, #tpu.memory_space<hbm>>) dst(%arg14 : memref<128x64xf32, #tpu.memory_space<vmem>>)
    %dma_wait3A_191 = arith.constant 3 : i32
    %dma_wait3A_192 = arith.constant 0 : i32
    %dma_wait3A_193 = tpu.memref_slice %arg12[%dma_wait3A_191, %dma_wait3A_192] : memref<4x128xi32, #tpu.memory_space<vmem>> -> memref<1x128xi32, #tpu.memory_space<vmem>>
    %dma_wait3A_194 = tpu.memref_squeeze %dma_wait3A_193 : memref<1x128xi32, #tpu.memory_space<vmem>> -> memref<128xi32, #tpu.memory_space<vmem>>
    %dma_wait3A_195 = arith.constant 0 : i32
    %dma_wait3A_196 = arith.constant 0 : i32
    %dma_wait3A_197 = tpu.memref_slice %arg5[%dma_wait3A_195, %dma_wait3A_196] : memref<100000x64xf32, #tpu.memory_space<hbm>> -> memref<100000x64xf32, #tpu.memory_space<hbm>>
    tpu.wait_indirect_dma semaphore(%arg20 : memref<!tpu.dma_semaphore, #tpu.memory_space<semaphore_mem>>) src(%dma_wait3A_197 : memref<100000x64xf32, #tpu.memory_space<hbm>>) dst(%arg16 : memref<128x64xf32, #tpu.memory_space<vmem>>)
    %scan3A_198 = arith.constant 0 : i32
    %scan3A_199 = arith.constant 0 : i32
    %scan3A_200 = arith.constant 128 : i32
    %scan3A_201 = arith.addi %scan3A_199, %scan3A_200 : i32
    %scan3A_202 = arith.constant 1 : i32
    scf.for %scan3A_268 = %scan3A_199 to %scan3A_201 step %scan3A_202  : i32 {
      %add3A_269 = arith.constant 384 : i32
      %add3A_270 = arith.addi %add3A_269, %scan3A_268 : i32
      %broadcast_in_dim3A = arith.constant 0.000000e+00 : f32
      %broadcast_in_dim3A_271 = vector.broadcast %broadcast_in_dim3A : f32 to vector<16xf32>
      %get3A = arith.index_cast %scan3A_268 : i32 to index
      %get3A_272 = arith.constant 0 : index
      %get3A_273 = tpu.vector_load %arg14[%get3A, %get3A_272] {strides = array<i32>} : memref<128x64xf32, #tpu.memory_space<vmem>>, vector<1x16xf32>,
      %get3A_274 = vector.shape_cast %get3A_273 : vector<1x16xf32> to vector<16xf32>
      %get3A_275 = arith.index_cast %scan3A_268 : i32 to index
      %get3A_276 = arith.constant 0 : index
      %get3A_277 = tpu.vector_load %arg16[%get3A_275, %get3A_276] {strides = array<i32>} : memref<128x64xf32, #tpu.memory_space<vmem>>, vector<1x16xf32>,
      %get3A_278 = vector.shape_cast %get3A_277 : vector<1x16xf32> to vector<16xf32>
      %mul3A_279 = arith.mulf %get3A_274, %get3A_278 : vector<16xf32>
      %add3A_280 = arith.addf %broadcast_in_dim3A_271, %mul3A_279 : vector<16xf32>
      %get3A_281 = arith.index_cast %scan3A_268 : i32 to index
      %get3A_282 = arith.constant 16 : index
      %get3A_283 = tpu.vector_load %arg14[%get3A_281, %get3A_282] {strides = array<i32>} : memref<128x64xf32, #tpu.memory_space<vmem>>, vector<1x16xf32>,
      %get3A_284 = vector.shape_cast %get3A_283 : vector<1x16xf32> to vector<16xf32>
      %get3A_285 = arith.index_cast %scan3A_268 : i32 to index
      %get3A_286 = arith.constant 16 : index
      %get3A_287 = tpu.vector_load %arg16[%get3A_285, %get3A_286] {strides = array<i32>} : memref<128x64xf32, #tpu.memory_space<vmem>>, vector<1x16xf32>,
      %get3A_288 = vector.shape_cast %get3A_287 : vector<1x16xf32> to vector<16xf32>
      %mul3A_289 = arith.mulf %get3A_284, %get3A_288 : vector<16xf32>
      %add3A_290 = arith.addf %add3A_280, %mul3A_289 : vector<16xf32>
      %get3A_291 = arith.index_cast %scan3A_268 : i32 to index
      %get3A_292 = arith.constant 32 : index
      %get3A_293 = tpu.vector_load %arg14[%get3A_291, %get3A_292] {strides = array<i32>} : memref<128x64xf32, #tpu.memory_space<vmem>>, vector<1x16xf32>,
      %get3A_294 = vector.shape_cast %get3A_293 : vector<1x16xf32> to vector<16xf32>
      %get3A_295 = arith.index_cast %scan3A_268 : i32 to index
      %get3A_296 = arith.constant 32 : index
      %get3A_297 = tpu.vector_load %arg16[%get3A_295, %get3A_296] {strides = array<i32>} : memref<128x64xf32, #tpu.memory_space<vmem>>, vector<1x16xf32>,
      %get3A_298 = vector.shape_cast %get3A_297 : vector<1x16xf32> to vector<16xf32>
      %mul3A_299 = arith.mulf %get3A_294, %get3A_298 : vector<16xf32>
      %add3A_300 = arith.addf %add3A_290, %mul3A_299 : vector<16xf32>
      %get3A_301 = arith.index_cast %scan3A_268 : i32 to index
      %get3A_302 = arith.constant 48 : index
      %get3A_303 = tpu.vector_load %arg14[%get3A_301, %get3A_302] {strides = array<i32>} : memref<128x64xf32, #tpu.memory_space<vmem>>, vector<1x16xf32>,
      %get3A_304 = vector.shape_cast %get3A_303 : vector<1x16xf32> to vector<16xf32>
      %get3A_305 = arith.index_cast %scan3A_268 : i32 to index
      %get3A_306 = arith.constant 48 : index
      %get3A_307 = tpu.vector_load %arg16[%get3A_305, %get3A_306] {strides = array<i32>} : memref<128x64xf32, #tpu.memory_space<vmem>>, vector<1x16xf32>,
      %get3A_308 = vector.shape_cast %get3A_307 : vector<1x16xf32> to vector<16xf32>
      %mul3A_309 = arith.mulf %get3A_304, %get3A_308 : vector<16xf32>
      %add3A_310 = arith.addf %add3A_300, %mul3A_309 : vector<16xf32>
      %swap3A = arith.index_cast %add3A_270 : i32 to index
      %swap3A_311 = arith.constant 0 : index
      %swap3A_312 = tpu.vector_load %arg19[%swap3A, %swap3A_311] {strides = array<i32>} : memref<512x16xf32, #tpu.memory_space<vmem>>, vector<1x16xf32>,
      %swap3A_313 = vector.shape_cast %swap3A_312 : vector<1x16xf32> to vector<16xf32>
      %swap3A_314 = vector.shape_cast %add3A_310 : vector<16xf32> to vector<1x16xf32>
      tpu.vector_store %arg19[%swap3A, %swap3A_311], %swap3A_314 {strides = array<i32>} : memref<512x16xf32, #tpu.memory_space<vmem>>, vector<1x16xf32>,
    }
    %scan3A_203 = arith.constant 128 : i32
    %dma_wait3A_204 = arith.constant 0 : i32
    %dma_wait3A_205 = arith.constant 0 : i32
    %dma_wait3A_206 = tpu.memref_slice %arg17[%dma_wait3A_205] : memref<512xf32, #tpu.memory_space<vmem>> -> memref<128xf32, #tpu.memory_space<vmem>>
    %dma_wait3A_207 = arith.constant 0 : i32
    %dma_wait3A_208 = tpu.memref_slice %arg11[%dma_wait3A_204, %dma_wait3A_207] : memref<4x128xi32, #tpu.memory_space<vmem>> -> memref<1x128xi32, #tpu.memory_space<vmem>>
    %dma_wait3A_209 = tpu.memref_squeeze %dma_wait3A_208 : memref<1x128xi32, #tpu.memory_space<vmem>> -> memref<128xi32, #tpu.memory_space<vmem>>
    %dma_wait3A_210 = arith.constant 0 : i32
    %dma_wait3A_211 = tpu.memref_slice %arg6[%dma_wait3A_210] : memref<1000000xf32, #tpu.memory_space<hbm>> -> memref<1000000xf32, #tpu.memory_space<hbm>>
    tpu.wait_indirect_dma semaphore(%arg21 : memref<!tpu.dma_semaphore, #tpu.memory_space<semaphore_mem>>) src(%dma_wait3A_211 : memref<1000000xf32, #tpu.memory_space<hbm>>) dst(%dma_wait3A_206 : memref<128xf32, #tpu.memory_space<vmem>>)
    %dma_wait3A_212 = arith.constant 0 : i32
    %dma_wait3A_213 = arith.constant 0 : i32
    %dma_wait3A_214 = tpu.memref_slice %arg18[%dma_wait3A_213] : memref<512xf32, #tpu.memory_space<vmem>> -> memref<128xf32, #tpu.memory_space<vmem>>
    %dma_wait3A_215 = arith.constant 0 : i32
    %dma_wait3A_216 = tpu.memref_slice %arg12[%dma_wait3A_212, %dma_wait3A_215] : memref<4x128xi32, #tpu.memory_space<vmem>> -> memref<1x128xi32, #tpu.memory_space<vmem>>
    %dma_wait3A_217 = tpu.memref_squeeze %dma_wait3A_216 : memref<1x128xi32, #tpu.memory_space<vmem>> -> memref<128xi32, #tpu.memory_space<vmem>>
    %dma_wait3A_218 = arith.constant 0 : i32
    %dma_wait3A_219 = tpu.memref_slice %arg7[%dma_wait3A_218] : memref<100000xf32, #tpu.memory_space<hbm>> -> memref<100000xf32, #tpu.memory_space<hbm>>
    tpu.wait_indirect_dma semaphore(%arg21 : memref<!tpu.dma_semaphore, #tpu.memory_space<semaphore_mem>>) src(%dma_wait3A_219 : memref<100000xf32, #tpu.memory_space<hbm>>) dst(%dma_wait3A_214 : memref<128xf32, #tpu.memory_space<vmem>>)
    %dma_wait3A_220 = arith.constant 1 : i32
    %dma_wait3A_221 = arith.constant 128 : i32
    %dma_wait3A_222 = tpu.memref_slice %arg17[%dma_wait3A_221] : memref<512xf32, #tpu.memory_space<vmem>> -> memref<128xf32, #tpu.memory_space<vmem>>
    %dma_wait3A_223 = arith.constant 0 : i32
    %dma_wait3A_224 = tpu.memref_slice %arg11[%dma_wait3A_220, %dma_wait3A_223] : memref<4x128xi32, #tpu.memory_space<vmem>> -> memref<1x128xi32, #tpu.memory_space<vmem>>
    %dma_wait3A_225 = tpu.memref_squeeze %dma_wait3A_224 : memref<1x128xi32, #tpu.memory_space<vmem>> -> memref<128xi32, #tpu.memory_space<vmem>>
    %dma_wait3A_226 = arith.constant 0 : i32
    %dma_wait3A_227 = tpu.memref_slice %arg6[%dma_wait3A_226] : memref<1000000xf32, #tpu.memory_space<hbm>> -> memref<1000000xf32, #tpu.memory_space<hbm>>
    tpu.wait_indirect_dma semaphore(%arg21 : memref<!tpu.dma_semaphore, #tpu.memory_space<semaphore_mem>>) src(%dma_wait3A_227 : memref<1000000xf32, #tpu.memory_space<hbm>>) dst(%dma_wait3A_222 : memref<128xf32, #tpu.memory_space<vmem>>)
    %dma_wait3A_228 = arith.constant 1 : i32
    %dma_wait3A_229 = arith.constant 128 : i32
    %dma_wait3A_230 = tpu.memref_slice %arg18[%dma_wait3A_229] : memref<512xf32, #tpu.memory_space<vmem>> -> memref<128xf32, #tpu.memory_space<vmem>>
    %dma_wait3A_231 = arith.constant 0 : i32
    %dma_wait3A_232 = tpu.memref_slice %arg12[%dma_wait3A_228, %dma_wait3A_231] : memref<4x128xi32, #tpu.memory_space<vmem>> -> memref<1x128xi32, #tpu.memory_space<vmem>>
    %dma_wait3A_233 = tpu.memref_squeeze %dma_wait3A_232 : memref<1x128xi32, #tpu.memory_space<vmem>> -> memref<128xi32, #tpu.memory_space<vmem>>
    %dma_wait3A_234 = arith.constant 0 : i32
    %dma_wait3A_235 = tpu.memref_slice %arg7[%dma_wait3A_234] : memref<100000xf32, #tpu.memory_space<hbm>> -> memref<100000xf32, #tpu.memory_space<hbm>>
    tpu.wait_indirect_dma semaphore(%arg21 : memref<!tpu.dma_semaphore, #tpu.memory_space<semaphore_mem>>) src(%dma_wait3A_235 : memref<100000xf32, #tpu.memory_space<hbm>>) dst(%dma_wait3A_230 : memref<128xf32, #tpu.memory_space<vmem>>)
    %dma_wait3A_236 = arith.constant 2 : i32
    %dma_wait3A_237 = arith.constant 256 : i32
    %dma_wait3A_238 = tpu.memref_slice %arg17[%dma_wait3A_237] : memref<512xf32, #tpu.memory_space<vmem>> -> memref<128xf32, #tpu.memory_space<vmem>>
    %dma_wait3A_239 = arith.constant 0 : i32
    %dma_wait3A_240 = tpu.memref_slice %arg11[%dma_wait3A_236, %dma_wait3A_239] : memref<4x128xi32, #tpu.memory_space<vmem>> -> memref<1x128xi32, #tpu.memory_space<vmem>>
    %dma_wait3A_241 = tpu.memref_squeeze %dma_wait3A_240 : memref<1x128xi32, #tpu.memory_space<vmem>> -> memref<128xi32, #tpu.memory_space<vmem>>
    %dma_wait3A_242 = arith.constant 0 : i32
    %dma_wait3A_243 = tpu.memref_slice %arg6[%dma_wait3A_242] : memref<1000000xf32, #tpu.memory_space<hbm>> -> memref<1000000xf32, #tpu.memory_space<hbm>>
    tpu.wait_indirect_dma semaphore(%arg21 : memref<!tpu.dma_semaphore, #tpu.memory_space<semaphore_mem>>) src(%dma_wait3A_243 : memref<1000000xf32, #tpu.memory_space<hbm>>) dst(%dma_wait3A_238 : memref<128xf32, #tpu.memory_space<vmem>>)
    %dma_wait3A_244 = arith.constant 2 : i32
    %dma_wait3A_245 = arith.constant 256 : i32
    %dma_wait3A_246 = tpu.memref_slice %arg18[%dma_wait3A_245] : memref<512xf32, #tpu.memory_space<vmem>> -> memref<128xf32, #tpu.memory_space<vmem>>
    %dma_wait3A_247 = arith.constant 0 : i32
    %dma_wait3A_248 = tpu.memref_slice %arg12[%dma_wait3A_244, %dma_wait3A_247] : memref<4x128xi32, #tpu.memory_space<vmem>> -> memref<1x128xi32, #tpu.memory_space<vmem>>
    %dma_wait3A_249 = tpu.memref_squeeze %dma_wait3A_248 : memref<1x128xi32, #tpu.memory_space<vmem>> -> memref<128xi32, #tpu.memory_space<vmem>>
    %dma_wait3A_250 = arith.constant 0 : i32
    %dma_wait3A_251 = tpu.memref_slice %arg7[%dma_wait3A_250] : memref<100000xf32, #tpu.memory_space<hbm>> -> memref<100000xf32, #tpu.memory_space<hbm>>
    tpu.wait_indirect_dma semaphore(%arg21 : memref<!tpu.dma_semaphore, #tpu.memory_space<semaphore_mem>>) src(%dma_wait3A_251 : memref<100000xf32, #tpu.memory_space<hbm>>) dst(%dma_wait3A_246 : memref<128xf32, #tpu.memory_space<vmem>>)
    %dma_wait3A_252 = arith.constant 3 : i32
    %dma_wait3A_253 = arith.constant 384 : i32
    %dma_wait3A_254 = tpu.memref_slice %arg17[%dma_wait3A_253] : memref<512xf32, #tpu.memory_space<vmem>> -> memref<128xf32, #tpu.memory_space<vmem>>
    %dma_wait3A_255 = arith.constant 0 : i32
    %dma_wait3A_256 = tpu.memref_slice %arg11[%dma_wait3A_252, %dma_wait3A_255] : memref<4x128xi32, #tpu.memory_space<vmem>> -> memref<1x128xi32, #tpu.memory_space<vmem>>
    %dma_wait3A_257 = tpu.memref_squeeze %dma_wait3A_256 : memref<1x128xi32, #tpu.memory_space<vmem>> -> memref<128xi32, #tpu.memory_space<vmem>>
    %dma_wait3A_258 = arith.constant 0 : i32
    %dma_wait3A_259 = tpu.memref_slice %arg6[%dma_wait3A_258] : memref<1000000xf32, #tpu.memory_space<hbm>> -> memref<1000000xf32, #tpu.memory_space<hbm>>
    tpu.wait_indirect_dma semaphore(%arg21 : memref<!tpu.dma_semaphore, #tpu.memory_space<semaphore_mem>>) src(%dma_wait3A_259 : memref<1000000xf32, #tpu.memory_space<hbm>>) dst(%dma_wait3A_254 : memref<128xf32, #tpu.memory_space<vmem>>)
    %dma_wait3A_260 = arith.constant 3 : i32
    %dma_wait3A_261 = arith.constant 384 : i32
    %dma_wait3A_262 = tpu.memref_slice %arg18[%dma_wait3A_261] : memref<512xf32, #tpu.memory_space<vmem>> -> memref<128xf32, #tpu.memory_space<vmem>>
    %dma_wait3A_263 = arith.constant 0 : i32
    %dma_wait3A_264 = tpu.memref_slice %arg12[%dma_wait3A_260, %dma_wait3A_263] : memref<4x128xi32, #tpu.memory_space<vmem>> -> memref<1x128xi32, #tpu.memory_space<vmem>>
    %dma_wait3A_265 = tpu.memref_squeeze %dma_wait3A_264 : memref<1x128xi32, #tpu.memory_space<vmem>> -> memref<128xi32, #tpu.memory_space<vmem>>
    %dma_wait3A_266 = arith.constant 0 : i32
    %dma_wait3A_267 = tpu.memref_slice %arg7[%dma_wait3A_266] : memref<100000xf32, #tpu.memory_space<hbm>> -> memref<100000xf32, #tpu.memory_space<hbm>>
    tpu.wait_indirect_dma semaphore(%arg21 : memref<!tpu.dma_semaphore, #tpu.memory_space<semaphore_mem>>) src(%dma_wait3A_267 : memref<100000xf32, #tpu.memory_space<hbm>>) dst(%dma_wait3A_262 : memref<128xf32, #tpu.memory_space<vmem>>)
    "tpu.region"() ({
      %run_scoped3A = tpu.sem_alloc : memref<!tpu.dma_semaphore, #tpu.memory_space<semaphore_mem>>
      %dma_start3A_268 = arith.constant 0 : i32
      %dma_start3A_269 = tpu.memref_slice %arg8[%mul3A_2, %dma_start3A_268] : memref<16384x16xf32, #tpu.memory_space<hbm>> -> memref<512x16xf32, #tpu.memory_space<hbm>>
      %dma_start3A_270 = arith.constant 0 : i32
      %dma_start3A_271 = tpu.memref_slice %arg8[%mul3A_2, %dma_start3A_270] : memref<16384x16xf32, #tpu.memory_space<hbm>> -> memref<512x16xf32, #tpu.memory_space<hbm>>
      tpu.enqueue_dma source(%arg19 : memref<512x16xf32, #tpu.memory_space<vmem>>) target(%dma_start3A_271 : memref<512x16xf32, #tpu.memory_space<hbm>>) target_semaphore(%run_scoped3A : memref<!tpu.dma_semaphore, #tpu.memory_space<semaphore_mem>>)
      %dma_wait3A_272 = arith.constant 0 : i32
      %dma_wait3A_273 = tpu.memref_slice %arg8[%mul3A_2, %dma_wait3A_272] : memref<16384x16xf32, #tpu.memory_space<hbm>> -> memref<512x16xf32, #tpu.memory_space<hbm>>
      %dma_wait3A_274 = arith.constant 0 : i32
      %dma_wait3A_275 = tpu.memref_slice %arg8[%mul3A_2, %dma_wait3A_274] : memref<16384x16xf32, #tpu.memory_space<hbm>> -> memref<512x16xf32, #tpu.memory_space<hbm>>
      tpu.wait_dma2 semaphore(%run_scoped3A : memref<!tpu.dma_semaphore, #tpu.memory_space<semaphore_mem>>) src(%arg19 : memref<512x16xf32, #tpu.memory_space<vmem>>) dst(%dma_wait3A_275 : memref<512x16xf32, #tpu.memory_space<hbm>>)
      tpu.yield
    }) : () -> ()
    "tpu.region"() ({
      %run_scoped3A = tpu.sem_alloc : memref<!tpu.dma_semaphore, #tpu.memory_space<semaphore_mem>>
      %dma_start3A_268 = tpu.memref_slice %arg9[%mul3A_2] : memref<16384xf32, #tpu.memory_space<hbm>> -> memref<512xf32, #tpu.memory_space<hbm>>
      %dma_start3A_269 = tpu.memref_slice %arg9[%mul3A_2] : memref<16384xf32, #tpu.memory_space<hbm>> -> memref<512xf32, #tpu.memory_space<hbm>>
      tpu.enqueue_dma source(%arg17 : memref<512xf32, #tpu.memory_space<vmem>>) target(%dma_start3A_269 : memref<512xf32, #tpu.memory_space<hbm>>) target_semaphore(%run_scoped3A : memref<!tpu.dma_semaphore, #tpu.memory_space<semaphore_mem>>)
      %dma_wait3A_270 = tpu.memref_slice %arg9[%mul3A_2] : memref<16384xf32, #tpu.memory_space<hbm>> -> memref<512xf32, #tpu.memory_space<hbm>>
      %dma_wait3A_271 = tpu.memref_slice %arg9[%mul3A_2] : memref<16384xf32, #tpu.memory_space<hbm>> -> memref<512xf32, #tpu.memory_space<hbm>>
      tpu.wait_dma2 semaphore(%run_scoped3A : memref<!tpu.dma_semaphore, #tpu.memory_space<semaphore_mem>>) src(%arg17 : memref<512xf32, #tpu.memory_space<vmem>>) dst(%dma_wait3A_271 : memref<512xf32, #tpu.memory_space<hbm>>)
      tpu.yield
    }) : () -> ()
    "tpu.region"() ({
      %run_scoped3A = tpu.sem_alloc : memref<!tpu.dma_semaphore, #tpu.memory_space<semaphore_mem>>
      %dma_start3A_268 = tpu.memref_slice %arg10[%mul3A_2] : memref<16384xf32, #tpu.memory_space<hbm>> -> memref<512xf32, #tpu.memory_space<hbm>>
      %dma_start3A_269 = tpu.memref_slice %arg10[%mul3A_2] : memref<16384xf32, #tpu.memory_space<hbm>> -> memref<512xf32, #tpu.memory_space<hbm>>
      tpu.enqueue_dma source(%arg18 : memref<512xf32, #tpu.memory_space<vmem>>) target(%dma_start3A_269 : memref<512xf32, #tpu.memory_space<hbm>>) target_semaphore(%run_scoped3A : memref<!tpu.dma_semaphore, #tpu.memory_space<semaphore_mem>>)
      %dma_wait3A_270 = tpu.memref_slice %arg10[%mul3A_2] : memref<16384xf32, #tpu.memory_space<hbm>> -> memref<512xf32, #tpu.memory_space<hbm>>
      %dma_wait3A_271 = tpu.memref_slice %arg10[%mul3A_2] : memref<16384xf32, #tpu.memory_space<hbm>> -> memref<512xf32, #tpu.memory_space<hbm>>
      tpu.wait_dma2 semaphore(%run_scoped3A : memref<!tpu.dma_semaphore, #tpu.memory_space<semaphore_mem>>) src(%arg18 : memref<512xf32, #tpu.memory_space<vmem>>) dst(%dma_wait3A_271 : memref<512xf32, #tpu.memory_space<hbm>>)
      tpu.yield
    }) : () -> ()
    return
  }
}

module attributes {stable_mosaic.version = 14 : i64} {
  func.func @_tc_body(%arg0: i32, %arg1: memref<1024x16xf32, #tpu.memory_space<vmem>>, %arg2: memref<1024xf32, #tpu.memory_space<vmem>>, %arg3: memref<1024xf32, #tpu.memory_space<vmem>>, %arg4: memref<1024xf32, #tpu.memory_space<vmem>>) attributes {dimension_semantics = [#tpu.dimension_semantics<arbitrary>], iteration_bounds = array<i64: 16>, scalar_prefetch = 0 : i64, scratch_operands = 0 : i64, tpu.core_type = #tpu.core_type<tc>, window_params = [{transform_indices = @transform_0, window_bounds = array<i64: 1024, 16>}, {transform_indices = @transform_1, window_bounds = array<i64: 1024>}, {transform_indices = @transform_2, window_bounds = array<i64: 1024>}, {transform_indices = @transform_3, window_bounds = array<i64: 1024>}]} {
    %get3A = arith.constant 0 : index
    %get3A_0 = arith.constant 0 : index
    %get3A_1 = vector.load %arg1[%get3A, %get3A_0] : memref<1024x16xf32, #tpu.memory_space<vmem>>, vector<1024x16xf32>
    %reduce_sum3A = arith.constant dense<0.000000e+00> : vector<1024xf32>
    %reduce_sum3A_2 = vector.multi_reduction <add>, %get3A_1, %reduce_sum3A [1] : vector<1024x16xf32> to vector<1024xf32>
    %get3A_3 = arith.constant 0 : index
    %get3A_4 = vector.load %arg2[%get3A_3] : memref<1024xf32, #tpu.memory_space<vmem>>, vector<1024xf32>
    %add3A = arith.addf %reduce_sum3A_2, %get3A_4 : vector<1024xf32>
    %get3A_5 = arith.constant 0 : index
    %get3A_6 = vector.load %arg3[%get3A_5] : memref<1024xf32, #tpu.memory_space<vmem>>, vector<1024xf32>
    %add3A_7 = arith.addf %add3A, %get3A_6 : vector<1024xf32>
    %add3A_8 = arith.constant 7.000000e+00 : f32
    %add3A_9 = vector.broadcast %add3A_8 : f32 to vector<1024xf32>
    %add3A_10 = arith.addf %add3A_7, %add3A_9 : vector<1024xf32>
    %swap3A = arith.constant 0 : index
    %swap3A_11 = vector.load %arg4[%swap3A] : memref<1024xf32, #tpu.memory_space<vmem>>, vector<1024xf32>
    tpu.vector_store %arg4[%swap3A], %add3A_10 {strides = array<i32>} : memref<1024xf32, #tpu.memory_space<vmem>>, vector<1024xf32>,
    return
  }
  func.func @transform_0(%arg0: i32) -> (i32, i32) {
    %c0_i32 = arith.constant 0 : i32
    %c0_i32_0 = arith.constant 0 : i32
    return %arg0, %c0_i32 : i32, i32
  }
  func.func @transform_1(%arg0: i32) -> i32 {
    %c0_i32 = arith.constant 0 : i32
    return %arg0 : i32
  }
  func.func @transform_2(%arg0: i32) -> i32 {
    %c0_i32 = arith.constant 0 : i32
    return %arg0 : i32
  }
  func.func @transform_3(%arg0: i32) -> i32 {
    %c0_i32 = arith.constant 0 : i32
    return %arg0 : i32
  }
}

</mosaic_0001>

<sc_bundles>
// kernel: kernel.4.cloned.1.call-start
scs
__scs_entry_jumppad:
0x0: {  	(pc) =	sbr.rel $0x88, $3  }
0x1: {  	(tag) =	ssettag $0x0;
	lr =	simm.s32 $0x1  }
0x2: {  	[smem:$0x3F9B] =	sst lr;
	_ =	strace $0xD0000000  }
0x3: {  	_ = 	snop  }
0x4: {  	_ = 	snop  }
0x5: {  	_ = 	snop  }
0x6: {  	_ = 	snop  }
0x7: {  	_ = 	snop  }
__scs_overlays_trampoline_lowered:
0x8: {  	[smem:$0x3FAA] =	sst s0  }
0x9: {  	[smem:$0x3FAB] =	sst s1  }
0xa: {  	[smem:$0x3FAC] =	sst s2  }
0xb: {  	[smem:$0x3FAD] =	sst s3  }
0xc: {  	[smem:$0x3FAE] =	sst s4  }
0xd: {  	[smem:$0x3FAF] =	sst s5  }
0xe: {  	[smem:$0x3FB0] =	sst s6  }
0xf: {  	[smem:$0x3FB1] =	sst s7  }
0x10: {  	[smem:$0x3FB2] =	sst s8  }
0x11: {  	[smem:$0x3FB3] =	sst s9;
	s0 =	simm.s32 @!p0 $0x0  }
0x12: {  	s1 =	sld [smem:$0x3F99];
	s0 =	simm.s32 @p0 $0x1  }
0x13: {  	[smem:$0x3FB4] =	sst s0;
	s0 =	simm.s32 @!p1 $0x0  }
0x14: {  	s2 =	sld [smem:$0x3F98];
	s0 =	simm.s32 @p1 $0x1  }
0x15: {  	[smem:$0x3FB5] =	sst s0;
	s0 =	simm.s32 @!p2 $0x0  }
0x16: {  	s3 =	sld [smem:$0x3FDB];
	s0 =	simm.s32 @p2 $0x1  }
0x17: {  	s4 =	simm.s32 $0x1BF5;
	[smem:$0x3FB7] =	sst s0  }
0x18: {  	s0 =	sld [smem:$0x3F9A];
	_ =	swait.ge [sflag:s4], $0x0  }
0x19: {  	s7 =	sld [smem:$0x3F9B]  }
0x1a: {  	s8 =	sadd.s32 $0xFFFFE003, lr  }
0x1b: {  	s9 =	sadd.s32 $0xFFFFFEF7, lr;
	s5 =	simm.s32 $0xFFFFFFFF;
	p2 =	slt.u32 s8, $0xFFFFF086  }
0x1c: {  	p1 =	slt.u32 s9, $0xF7A;
	s5 =	simm.s32 @!p2 $0x0  }
0x1d: {  	s5 =	simm.s32 @p1 $0x1;
	p0 =	seq.s32 s7, s2  }
0x1e: {  	s7 =	smul.u32 @!p0 $0xF7A, s2;
	p2 =	seq.s32 @!p0 s5, $0x0  }
0x1f: {  	s9 =	smul.u32 $0xF7A, s1;
	s8 =	simm.s32 @!p0 $0x1BF5;
	p2 =	por !p2, p0  }
0x20: {  	[sflag:s8] =	ssyncset.s32 @!p0 $0xFFFFF086;
	s6 =	sadd.s32 @!p0 s3, s7;
	s7 =	simm.s32 @!p0 $0x108  }
0x21: {  	s3 =	sadd.s32 s3, s9;
	s6 =	sadd.s32 @!p0 $0x88, s6;
	s7 =	simm.s32 @p2 $0x1082  }
0x22: {  	[simem:s7], [sflag:s8] =	dma.local @!p0 [hbm:s6], $0xF7A  }
0x23: {  	s9 =	sor.u32 $0xD0000000, s2;
	s6 =	simm.s32 $0x108;
	_ =	swait.ge @!p0 [sflag:s8], $0x0  }
0x24: {  	s3 =	sadd.s32 $0x88, s3;
	s6 =	simm.s32 @!p1 $0x1082;
	[sflag:s4] =	ssyncset.s32 $0xFFFFF086  }
0x25: {  	[simem:s6], [sflag:s4] =	dma.local [hbm:s3], $0xF7A  }
0x26: {  	[smem:$0x3F9B] =	sst s1;
	(tag) =	ssettag s2;
	_ =	strace s9  }
0x27: {  	s1 =	sld [smem:$0x3FAB]  }
0x28: {  	s2 =	sld [smem:$0x3FAC]  }
0x29: {  	s4 =	sld [smem:$0x3FAE]  }
0x2a: {  	p0 =	seq.s32 s5, $0x0;
	s5 =	sld [smem:$0x3FAF]  }
0x2b: {  	s6 =	sld [smem:$0x3FB0]  }
0x2c: {  	s7 =	sld [smem:$0x3FB1]  }
0x2d: {  	s3 =	simm.s32 $0x108;
	s8 =	sld [smem:$0x3FB2]  }
0x2e: {  	s3 =	simm.s32 @!p0 $0x1082;
	s9 =	sld [smem:$0x3FB3]  }
0x2f: {  	lr =	sadd.s32 s0, s3;
	s0 =	sld [smem:$0x3FAA]  }
0x30: {  	s3 =	sld [smem:$0x3FAD]  }
0x31: {  	[smem:$0x3FB6] =	sst s10  }
0x32: {  	s10 =	sld [smem:$0x3FB4];
	_ =	sdelay $0x3  }
0x33: {  	p0 =	seq.s32 s10, $0x1;
	s10 =	sld [smem:$0x3FB6];
	_ =	sdelay $0x3  }
0x34: {  	[smem:$0x3FB6] =	sst s10  }
0x35: {  	s10 =	sld [smem:$0x3FB5];
	_ =	sdelay $0x3  }
0x36: {  	p1 =	seq.s32 s10, $0x1;
	s10 =	sld [smem:$0x3FB6];
	_ =	sdelay $0x3  }
0x37: {  	[smem:$0x3FB6] =	sst s10  }
0x38: {  	s10 =	sld [smem:$0x3FB7]  }
0x39: {  	_ = 	snop;
	(pc) =	sbr.ind lr, $3  }
0x3a: {  	_ = 	snop  }
0x3b: {  	_ = 	snop  }
0x3c: {  	p2 =	seq.s32 s10, $0x1;
	s10 =	sld [smem:$0x3FB6]  }
0x3d: {  	_ =	shalt  }
0x3e: {  	_ =	shalt  }
0x3f: {  	_ =	shalt  }
0x40: {  	_ =	shalt  }
0x41: {  	_ =	shalt  }
0x42: {  	_ =	shalt  }
0x43: {  	_ =	shalt  }
0x44: {  	_ =	shalt  }
0x45: {  	_ =	shalt  }
0x46: {  	_ =	shalt  }
0x47: {  	_ =	shalt  }
0x48: {  	_ =	shalt  }
0x49: {  	_ =	shalt  }
0x4a: {  	_ =	shalt  }
0x4b: {  	_ =	shalt  }
0x4c: {  	_ =	shalt  }
0x4d: {  	_ =	shalt  }
0x4e: {  	_ =	shalt  }
0x4f: {  	_ =	shalt  }
0x50: {  	_ =	shalt  }
0x51: {  	_ =	shalt  }
0x52: {  	_ =	shalt  }
0x53: {  	_ =	shalt  }
0x54: {  	_ =	shalt  }
0x55: {  	_ =	shalt  }
0x56: {  	_ =	shalt  }
0x57: {  	_ =	shalt  }
0x58: {  	_ =	shalt  }
0x59: {  	_ =	shalt  }
0x5a: {  	_ =	shalt  }
0x5b: {  	_ =	shalt  }
0x5c: {  	_ =	shalt  }
0x5d: {  	_ =	shalt  }
0x5e: {  	_ =	shalt  }
0x5f: {  	_ =	shalt  }
0x60: {  	_ =	shalt  }
0x61: {  	_ =	shalt  }
0x62: {  	_ =	shalt  }
0x63: {  	_ =	shalt  }
0x64: {  	_ =	shalt  }
0x65: {  	_ =	shalt  }
0x66: {  	_ =	shalt  }
0x67: {  	_ =	shalt  }
0x68: {  	_ =	shalt  }
0x69: {  	_ =	shalt  }
0x6a: {  	_ =	shalt  }
0x6b: {  	_ =	shalt  }
0x6c: {  	_ =	shalt  }
0x6d: {  	_ =	shalt  }
0x6e: {  	_ =	shalt  }
0x6f: {  	_ =	shalt  }
0x70: {  	_ =	shalt  }
0x71: {  	_ =	shalt  }
0x72: {  	_ =	shalt  }
0x73: {  	_ =	shalt  }
0x74: {  	_ =	shalt  }
0x75: {  	_ =	shalt  }
0x76: {  	_ =	shalt  }
0x77: {  	_ =	shalt  }
0x78: {  	_ =	shalt  }
0x79: {  	_ =	shalt  }
0x7a: {  	_ =	shalt  }
0x7b: {  	_ =	shalt  }
0x7c: {  	_ =	shalt  }
0x7d: {  	_ =	shalt  }
0x7e: {  	_ =	shalt  }
0x7f: {  	_ =	shalt  }
0x80: {  	_ =	shalt  }
0x81: {  	_ =	shalt  }
0x82: {  	_ =	shalt  }
0x83: {  	_ =	shalt  }
0x84: {  	_ =	shalt  }
0x85: {  	_ =	shalt  }
0x86: {  	_ =	shalt  }
0x87: {  	_ =	shalt  }
.Lfunc_end0:
.L_simem_size_0:
called_computation_lowered:
.L_overlay_start_0:
0x88: {  	s2 =	sld [smem:$0x3FD9]  }
0x89: {  	s3 =	sld [smem:$0x3FFE];
	_ =	sdelay $0x1  }
0x8a: {  	s1 =	srdreg.scid  }
0x8b: {  	s0 =	sand.u32 $0x1, s1  }
0x8c: {  	s17 =	sshll.u32 s0, $0xA;
	s2 =	sadd.s32 s3, s2  }
0x8d: {  	s2 =	sadd.s32 s2, s17  }
0x8e: {  	[smem:$0x3FC2] =	sst s2  }
0x8f: {  	_ = 	snop  }
0x90: {  	s2 =	sld [smem:$0x3FC9]  }
0x91: {  	s18 =	sld [smem:$0x3FC8]  }
0x92: {  	s4 =	sld [smem:$0x3FD0];
	(tm) =	ssettm $0x1  }
0x93: {  	s5 =	sld [smem:$0x3FFB];
	_ =	sdelay $0x3  }
0x94: {  	_ =	strace s5  }
0x95: {  	s5 =	sld [smem:$0x3FFC];
	_ =	sdelay $0x3  }
0x96: {  	_ =	strace s5  }
0x97: {  	s5 =	sld [smem:$0x3FFD];
	_ =	sdelay $0x3  }
0x98: {  	_ =	strace s5  }
0x99: {  	_ =	strace $0x8FFFFFFF  }
0x9a: {  	s19 =	sld [smem:$0x3FDB];
	_ =	sdelay $0x1  }
0x9b: {  	s6 =	simm.s32 $_scs_section_size  }
0x9c: {  	s7 =	simm.s32 $_size__tile_overlayer_lowered;
	s8 =	simm.s32 $_tile_overlayer_lowered  }
0x9d: {  	s22 =	simm.s32 $0x1BFF;
	s21 =	sshll.u32 s8, $0x1;
	s5 =	sadd.s32 s6, s19  }
0x9e: {  	s9 =	simm.s32 $0x0;
	s20 =	sshll.u32 s7, $0x1;
	s7 =	sadd.s32 s21, s5  }
0x9f: {  	[timem:s9], [sflag:s22] =	dma.local [hbm:s7], s20  }
0xa0: {  	_ =	swait.ge [sflag:s22], s20  }
0xa1: {  	s6 =	ssub.s32 $0x0, s20;
	[sflag:s22] =	ssyncset.done $0x0  }
0xa2: {  	[sflag:s22] =	ssyncadd.s32 s6;
	_ =	sdelay $0x1  }
0xa3: {  	s23 =	simm.s32 $0x1B8B  }
0xa4: {  	_ =	swait.ge [sflag:s23], $0x1  }
0xa5: {  	[sflag:s23] =	ssyncset.done $0x0  }
0xa6: {  	s25 =	simm.s32 $0x1B8E;
	s24 =	sld [smem:$0x3FFE];
	[sflag:s23] =	ssyncadd.s32 $0xFFFFFFFF  }
0xa7: {  	s26 =	simm.s32 $execute0_lowered;
	[smem:$0x3FD2] =	sst s25  }
0xa8: {  	s7 =	sshll.u32 s26, $0x1;
	_ =	strace $0x80000046;
	[dreg:$0x1] =	wrdreg $0xFFFFFFFF  }
0xa9: {  	s28 =	simm.s32 $_size_execute0_lowered;
	s5 =	sadd.s32 s5, s7;
	[dreg:$0x0] =	wrdreg $0x0  }
0xaa: {  	s7 =	sshll.u32 s28, $0x1;
	[dreg:$0x2] =	wrdreg s5  }
0xab: {  	[dreg:$0x3] =	wrdreg s7  }
0xac: {  	[dreg:$0x4] =	wrdreg $0xC0  }
0xad: {  	_ =	task [dreg:s9], $0x5FFFF  }
0xae: {  	[dreg:$0x1] =	wrdreg $0xFFFFFFFF  }
0xaf: {  	[dreg:$0x0] =	wrdreg $0x60  }
0xb0: {  	[dreg:$0x2] =	wrdreg s2  }
0xb1: {  	[dreg:$0x3] =	wrdreg s18  }
0xb2: {  	[dreg:$0x4] =	wrdreg s24  }
0xb3: {  	[dreg:$0x5] =	wrdreg s4  }
0xb4: {  	[dreg:$0x6] =	wrdreg $0x9  }
0xb5: {  	_ =	task.clear_ibuf [dreg:s9], $0x7FFFF;
	_ =	strace $0x90000046  }
0xb6: {  	s29 =	simm.s32 $0x9;
	_ =	strace $0x80000048  }
0xb7: {  	_ =	swait.ge [sflag:s29], $0x1  }
0xb8: {  	[sflag:s29] =	ssyncadd.s32 $0xFFFFFFFF  }
0xb9: {  	_ =	strace $0x90000048  }
0xba: {  	_ =	sfence  }
0xbb: {  	s30 =	sld [smem:$0x0];
	_ =	sdelay $0x2  }
0xbc: {  	s31 =	sshll.u32 s1, $0xD;
	s1 =	sshrl.u32 s1, $0x2  }
0xbd: {  	s3 =	sand.u32 $0x4000, s31;
	s1 =	sadd.s32 s1, s30  }
0xbe: {  	s0 =	sor.u32 s3, s0;
	s1 =	sshll.u32 s1, $0x11  }
0xbf: {  	s0 =	sor.u32 s1, s0  }
0xc0: {  	s0 =	sadd.s32 $0x8F2B, s0  }
0xc1: {  	[sflag:s0] =	ssyncadd.remote.s32 $0x1  }
0xc2: {  	_ =	sfence.sel $0xFFFF  }
0xc3: {  	[dreg:$0x0] =	wrdreg $0xFFFFFFFF;
	(pc) =	sbr.abs _section_cstart, $3  }
0xc4: {  	[dreg:$0x1] =	wrdreg $0xFFFFFFFF  }
0xc5: {  	_ =	task.clear_ibuf [dreg:s9], $0x2FFFF;
	_ =	strace $0x9FFFFFFF  }
0xc6: {  	(tm) =	ssettm $0x7FFFFFFF  }
0xc7: {  	_ =	shalt  }
tec
execute0_lowered:
.L_overlay_start_1:
0x0: {  	(tag) =	ssettag $0x1  }
0x1: {  	s0 =	rddreg [dreg:$0x0]  }
0x2: {  	s2 =	rddreg [dreg:$0x1]  }
0x3: {  	s7 =	rddreg [dreg:$0x2]  }
0x4: {  	s10 =	rddreg [dreg:$0x3];
	s1 =	simm.s32 $0x0;
	s6 =	srdreg.scid  }
0x5: {  	s9 =	stileid.u32;
	s14 =	simm.s32 $0x200;
	s15 =	simm.s32 $0x80  }
0x6: {  	s16 =	simm.s32 $0x8400;
	s17 =	simm.s32 $0x8600;
	s19 =	simm.s32 $0x280  }
0x7: {  	s21 =	simm.s32 $0x100;
	s23 =	simm.s32 $0x300;
	s25 =	simm.s32 $0x180  }
0x8: {  	s28 =	simm.s32 $0x380;
	s30 =	simm.s32 $0x400;
	s31 =	simm.s32 $0x4400  }
0x9: {  	s18 =	simm.s32 $0x1;
	s20 =	simm.s32 $0x2;
	s22 =	simm.s32 $0x8800  }
0xa: {  	s24 =	simm.s32 $0x0;
	[smem:$0x7FF] =	sst s1;
	s3 =	sadd.s32 $0xF42C00, s7  }
0xb: {  	s4 =	sadd.s32 $0x187200, s7;
	s8 =	sand.u32 $0x1, s6;
	s9 =	sshll.u32 s9, $0x1  }
0xc: {  	s5 =	sadd.s32 $0x800, s7;
	s6 =	sadd.s32 $0x1F200, s7;
	s9 =	sor.u32 s8, s9  }
0xd: {  	_ =	strace $0x80000047;
	s8 =	ssub.s32 $0x2, s8;
	s11 =	sshll.u32 s9, $0xA  }
0xe: {  	s12 =	sshll.u32 s9, $0x6;
	s29 =	sshrl.u32 s8, $0x1;
	s11 =	sadd.s32 s11, s7  }
0xf: {  	s7 =	sadd.s32 s12, s7;
	s13 =	ssub.s32 s8, s29;
	s0 =	sadd.s32 s0, s12  }
0x10: {  	s8 =	sadd.s32 s2, s12;
	s10 =	sadd.s32 s10, s12;
	s2 =	simm.s32 $0x6400  }
0x11: {  	[dreg:$0x5] =	wrdreg s0;
	s9 =	sadd.s32 $0x22400, s11;
	s11 =	sadd.s32 $0x2A400, s7  }
0x12: {  	s12 =	smax.u32 s13, $0x1;
	s13 =	simm.s32 $0x3;
	s0 =	simm.s32 $0x2400  }
.LBB2_1:
0x13: {  	s7 =	rddreg [dreg:$0x5]  }
0x14: {  	[tilespmem:s1], [sflag:$0x3] =	stream.linear.gather [hbm4b:s7+s1], $0x200, $0x38;
	[tilespmem:$0xA800] =	vst v63  }
0x15: {  	_ =	swait.ge [sflag:s13], $0x200  }
0x16: {  	[sflag:s13] =	ssyncset.done $0x0  }
0x17: {  	[sflag:s13] =	ssyncadd.s32 $0xFFFFFE00  }
0x18: {  	[tilespmem:s14], [sflag:$0x3] =	stream.linear.gather [hbm4b:s8+s1], $0x200, $0x38;
	[tilespmem:$0xA800] =	vst v63  }
0x19: {  	_ =	swait.ge [sflag:s13], $0x200  }
0x1a: {  	[sflag:s13] =	ssyncset.done $0x0  }
0x1b: {  	[sflag:s13] =	ssyncadd.s32 $0xFFFFFE00  }
0x1c: {  	[tilespmem:s16], [sflag:$0x2] =	stream.indirect.gather [hbm4b:s5+s15], $0x1, s1, s15, $0xb8;
	[tilespmem:$0xA800] =	vst v63  }
0x1d: {  	_ = 	snop  }
0x1e: {  	[tilespmem:s17], [sflag:$0x2] =	stream.indirect.gather [hbm4b:s6+s15], $0x1, s14, s15, $0xb8;
	[tilespmem:$0xA800] =	vst v63  }
0x1f: {  	s26 =	simm.s32 $0x8480  }
0x20: {  	[tilespmem:s26], [sflag:$0x2] =	stream.indirect.gather [hbm4b:s5+s15], $0x1, s15, s15, $0xb8;
	[tilespmem:$0xA800] =	vst v63  }
0x21: {  	s26 =	simm.s32 $0x8680  }
0x22: {  	[tilespmem:s26], [sflag:$0x2] =	stream.indirect.gather [hbm4b:s6+s15], $0x1, s19, s15, $0xb8;
	[tilespmem:$0xA800] =	vst v63  }
0x23: {  	s26 =	simm.s32 $0x8500  }
0x24: {  	[tilespmem:s26], [sflag:$0x2] =	stream.indirect.gather [hbm4b:s5+s15], $0x1, s21, s15, $0xb8;
	[tilespmem:$0xA800] =	vst v63  }
0x25: {  	s26 =	simm.s32 $0x8700  }
0x26: {  	[tilespmem:s26], [sflag:$0x2] =	stream.indirect.gather [hbm4b:s6+s15], $0x1, s23, s15, $0xb8;
	[tilespmem:$0xA800] =	vst v63  }
0x27: {  	s26 =	simm.s32 $0x8580  }
0x28: {  	[tilespmem:s26], [sflag:$0x2] =	stream.indirect.gather [hbm4b:s5+s15], $0x1, s25, s15, $0xb8;
	[tilespmem:$0xA800] =	vst v63  }
0x29: {  	s26 =	simm.s32 $0x8780  }
0x2a: {  	[tilespmem:s26], [sflag:$0x2] =	stream.indirect.gather [hbm4b:s6+s15], $0x1, s28, s15, $0xb8;
	[tilespmem:$0xA800] =	vst v63  }
0x2b: {  	_ = 	snop  }
0x2c: {  	[tilespmem:s30], [sflag:$0x1] =	stream.indirect.gather [hbm4b:s3+s15], $0x40, s1, s15, $0xb8;
	[tilespmem:$0xA800] =	vst v63  }
0x2d: {  	_ = 	snop  }
0x2e: {  	[tilespmem:s31], [sflag:$0x1] =	stream.indirect.gather [hbm4b:s4+s15], $0x40, s14, s15, $0xb8;
	[tilespmem:$0xA800] =	vst v63  }
0x2f: {  	_ = 	snop  }
0x30: {  	[tilespmem:s0], [sflag:$0x1] =	stream.indirect.gather [hbm4b:s3+s15], $0x40, s15, s15, $0xb8;
	[tilespmem:$0xA800] =	vst v63  }
0x31: {  	_ = 	snop  }
0x32: {  	[tilespmem:s2], [sflag:$0x1] =	stream.indirect.gather [hbm4b:s4+s15], $0x40, s19, s15, $0xb8;
	[tilespmem:$0xA800] =	vst v63  }
0x33: {  	_ =	swait.ge [sflag:s18], $0x2000  }
0x34: {  	[sflag:s18] =	ssyncset.done $0x0  }
0x35: {  	[sflag:s18] =	ssyncadd.s32 $0xFFFFE000  }
0x36: {  	_ =	swait.ge [sflag:s18], $0x2000  }
0x37: {  	[sflag:s18] =	ssyncset.done $0x0  }
0x38: {  	s26 =	simm.s32 $0x0;
	[sflag:s18] =	ssyncadd.s32 $0xFFFFE000  }
0x39: {  	v0 =	vld [tilespmem:s26+$0x4400]  }
0x3a: {  	v1 =	vld [tilespmem:s26+$0x400]  }
0x3b: {  	v2 =	vld [tilespmem:s26+$0x410]  }
0x3c: {  	v3 =	vld [tilespmem:s26+$0x4410]  }
0x3d: {  	v4 =	vld [tilespmem:s26+$0x420]  }
0x3e: {  	v5 =	vld [tilespmem:s26+$0x4420]  }
0x3f: {  	v6 =	vld [tilespmem:s26+$0x4430];
	v0 =	vmul.f32 v0, v1  }
0x40: {  	v1 =	vld [tilespmem:s26+$0x430]  }
0x41: {  	v2 =	vmul.f32 v3, v2;
	v0 =	vadd.f32 $0.0e+00, v0;
	_ =	sdelay $0x1  }
0x42: {  	v0 =	vadd.f32 v2, v0;
	v2 =	vmul.f32 v5, v4;
	_ =	sdelay $0x1  }
0x43: {  	v1 =	vmul.f32 v6, v1;
	v0 =	vadd.f32 v2, v0;
	_ =	sdelay $0x1  }
0x44: {  	v0 =	vadd.f32 v1, v0;
	_ =	sdelay $0x1  }
0x45: {  	s7 =	simm.s32 $0x40;
	[tilespmem:s22+$0x0] =	vst v0  }
0x46: {  	s29 =	simm.s32 $0x200;
	s26 =	simm.s32 $0x8800;
	v0 =	vld [tilespmem:s7+$0x4400]  }
.LBB2_2:
0x47: {  	p0 =	sne.s32 s29, $0x7F00;
	v1 =	vld [tilespmem:s7+$0x400]  }
0x48: {  	v2 =	vld [tilespmem:s7+$0x410]  }
0x49: {  	v3 =	vld [tilespmem:s7+$0x4410]  }
0x4a: {  	v4 =	vld [tilespmem:s7+$0x420]  }
0x4b: {  	v5 =	vld [tilespmem:s7+$0x4420]  }
0x4c: {  	v0 =	vmul.f32 v0, v1;
	v1 =	vld [tilespmem:s7+$0x430]  }
0x4d: {  	v6 =	vld [tilespmem:s7+$0x4430]  }
0x4e: {  	v0 =	vadd.f32 $0.0e+00, v0;
	v2 =	vmul.f32 v3, v2;
	_ =	sdelay $0x1  }
0x4f: {  	v0 =	vadd.f32 v2, v0;
	v2 =	vmul.f32 v5, v4;
	_ =	sdelay $0x1  }
0x50: {  	v0 =	vadd.f32 v2, v0;
	v1 =	vmul.f32 v6, v1  }
.Ltmp0:
0x51: {  	(pc) =	sbr.rel @p0 .LBB2_2-.Ltmp0, $4  }
0x52: {  	v0 =	vadd.f32 v1, v0  }
0x53: {  	s26 =	sadd.s32 $0x10, s26  }
0x54: {  	s7 =	sshra.s32 s29, $0x2;
	[tilespmem:s26+$0x0] =	vst v0  }
0x55: {  	s29 =	sadd.s32 $0x100, s29;
	v0 =	vld [tilespmem:s7+$0x4400]  }
0x56: {  	v1 =	vld [tilespmem:s7+$0x400]  }
0x57: {  	v2 =	vld [tilespmem:s7+$0x410]  }
0x58: {  	v3 =	vld [tilespmem:s7+$0x4410]  }
0x59: {  	v4 =	vld [tilespmem:s7+$0x420]  }
0x5a: {  	v5 =	vld [tilespmem:s7+$0x4420]  }
0x5b: {  	v6 =	vld [tilespmem:s7+$0x4430];
	v0 =	vmul.f32 v0, v1  }
0x5c: {  	v1 =	vld [tilespmem:s7+$0x430]  }
0x5d: {  	v2 =	vmul.f32 v3, v2;
	v0 =	vadd.f32 $0.0e+00, v0;
	_ =	sdelay $0x1  }
0x5e: {  	v0 =	vadd.f32 v2, v0;
	v2 =	vmul.f32 v5, v4;
	_ =	sdelay $0x1  }
0x5f: {  	v1 =	vmul.f32 v6, v1;
	v0 =	vadd.f32 v2, v0;
	_ =	sdelay $0x1  }
0x60: {  	v0 =	vadd.f32 v1, v0  }
0x61: {  	s26 =	sadd.s32 $0x10, s26  }
0x62: {  	[tilespmem:s26+$0x0] =	vst v0  }
0x63: {  	[tilespmem:s30], [sflag:$0x1] =	stream.indirect.gather [hbm4b:s3+s15], $0x40, s21, s15, $0xb8;
	[tilespmem:$0xA800] =	vst v63  }
0x64: {  	_ = 	snop  }
0x65: {  	[tilespmem:s31], [sflag:$0x1] =	stream.indirect.gather [hbm4b:s4+s15], $0x40, s23, s15, $0xb8;
	[tilespmem:$0xA800] =	vst v63  }
0x66: {  	_ =	swait.ge [sflag:s18], $0x2000  }
0x67: {  	[sflag:s18] =	ssyncset.done $0x0  }
0x68: {  	[sflag:s18] =	ssyncadd.s32 $0xFFFFE000  }
0x69: {  	_ =	swait.ge [sflag:s18], $0x2000  }
0x6a: {  	[sflag:s18] =	ssyncset.done $0x0  }
0x6b: {  	s26 =	simm.s32 $0x0;
	[sflag:s18] =	ssyncadd.s32 $0xFFFFE000  }
0x6c: {  	v0 =	vld [tilespmem:s26+$0x6400]  }
0x6d: {  	v1 =	vld [tilespmem:s26+$0x2400]  }
0x6e: {  	v2 =	vld [tilespmem:s26+$0x2410]  }
0x6f: {  	v3 =	vld [tilespmem:s26+$0x6410]  }
0x70: {  	v61 =	vld [tilespmem:s26+$0x2420]  }
0x71: {  	v62 =	vld [tilespmem:s26+$0x6420]  }
0x72: {  	v63 =	vld [tilespmem:s26+$0x6430];
	v0 =	vmul.f32 v0, v1  }
0x73: {  	v1 =	vld [tilespmem:s26+$0x2430]  }
0x74: {  	v2 =	vmul.f32 v3, v2;
	v0 =	vadd.f32 $0.0e+00, v0;
	_ =	sdelay $0x1  }
0x75: {  	v0 =	vadd.f32 v2, v0;
	v2 =	vmul.f32 v62, v61;
	_ =	sdelay $0x1  }
0x76: {  	v1 =	vmul.f32 v63, v1;
	v0 =	vadd.f32 v2, v0;
	_ =	sdelay $0x1  }
0x77: {  	v0 =	vadd.f32 v1, v0  }
0x78: {  	s26 =	simm.s32 $0x9000  }
0x79: {  	s7 =	simm.s32 $0x40;
	[tilespmem:s26+$0x0] =	vst v0  }
0x7a: {  	s29 =	simm.s32 $0x200;
	v0 =	vld [tilespmem:s7+$0x6400]  }
.LBB2_4:
0x7b: {  	p0 =	sne.s32 s29, $0x7F00;
	v1 =	vld [tilespmem:s7+$0x2400]  }
0x7c: {  	v2 =	vld [tilespmem:s7+$0x2410]  }
0x7d: {  	v3 =	vld [tilespmem:s7+$0x6410]  }
0x7e: {  	v4 =	vld [tilespmem:s7+$0x2420]  }
0x7f: {  	v5 =	vld [tilespmem:s7+$0x6420]  }
0x80: {  	v0 =	vmul.f32 v0, v1;
	v1 =	vld [tilespmem:s7+$0x2430]  }
0x81: {  	v6 =	vld [tilespmem:s7+$0x6430]  }
0x82: {  	v0 =	vadd.f32 $0.0e+00, v0;
	v2 =	vmul.f32 v3, v2;
	_ =	sdelay $0x1  }
0x83: {  	v0 =	vadd.f32 v2, v0;
	v2 =	vmul.f32 v5, v4;
	_ =	sdelay $0x1  }
0x84: {  	v0 =	vadd.f32 v2, v0;
	v1 =	vmul.f32 v6, v1  }
.Ltmp1:
0x85: {  	(pc) =	sbr.rel @p0 .LBB2_4-.Ltmp1, $4  }
0x86: {  	v0 =	vadd.f32 v1, v0  }
0x87: {  	s26 =	sadd.s32 $0x10, s26  }
0x88: {  	s7 =	sshra.s32 s29, $0x2;
	[tilespmem:s26+$0x0] =	vst v0  }
0x89: {  	s29 =	sadd.s32 $0x100, s29;
	v0 =	vld [tilespmem:s7+$0x6400]  }
0x8a: {  	v1 =	vld [tilespmem:s7+$0x2400]  }
0x8b: {  	v2 =	vld [tilespmem:s7+$0x2410]  }
0x8c: {  	v3 =	vld [tilespmem:s7+$0x6410]  }
0x8d: {  	v4 =	vld [tilespmem:s7+$0x2420]  }
0x8e: {  	v5 =	vld [tilespmem:s7+$0x6420]  }
0x8f: {  	v6 =	vld [tilespmem:s7+$0x6430];
	v0 =	vmul.f32 v0, v1  }
0x90: {  	v1 =	vld [tilespmem:s7+$0x2430]  }
0x91: {  	v2 =	vmul.f32 v3, v2;
	v0 =	vadd.f32 $0.0e+00, v0;
	_ =	sdelay $0x1  }
0x92: {  	v0 =	vadd.f32 v2, v0;
	v2 =	vmul.f32 v5, v4;
	_ =	sdelay $0x1  }
0x93: {  	v1 =	vmul.f32 v6, v1;
	v0 =	vadd.f32 v2, v0;
	_ =	sdelay $0x1  }
0x94: {  	v0 =	vadd.f32 v1, v0  }
0x95: {  	s26 =	sadd.s32 $0x10, s26  }
0x96: {  	[tilespmem:s26+$0x0] =	vst v0  }
0x97: {  	[tilespmem:s0], [sflag:$0x1] =	stream.indirect.gather [hbm4b:s3+s15], $0x40, s25, s15, $0xb8;
	[tilespmem:$0xA800] =	vst v63  }
0x98: {  	_ = 	snop  }
0x99: {  	[tilespmem:s2], [sflag:$0x1] =	stream.indirect.gather [hbm4b:s4+s15], $0x40, s28, s15, $0xb8;
	[tilespmem:$0xA800] =	vst v63  }
0x9a: {  	_ =	swait.ge [sflag:s18], $0x2000  }
0x9b: {  	[sflag:s18] =	ssyncset.done $0x0  }
0x9c: {  	[sflag:s18] =	ssyncadd.s32 $0xFFFFE000  }
0x9d: {  	_ =	swait.ge [sflag:s18], $0x2000  }
0x9e: {  	[sflag:s18] =	ssyncset.done $0x0  }
0x9f: {  	s26 =	simm.s32 $0x0;
	[sflag:s18] =	ssyncadd.s32 $0xFFFFE000  }
0xa0: {  	v0 =	vld [tilespmem:s26+$0x4400]  }
0xa1: {  	v1 =	vld [tilespmem:s26+$0x400]  }
0xa2: {  	v2 =	vld [tilespmem:s26+$0x410]  }
0xa3: {  	v3 =	vld [tilespmem:s26+$0x4410]  }
0xa4: {  	v61 =	vld [tilespmem:s26+$0x420]  }
0xa5: {  	v62 =	vld [tilespmem:s26+$0x4420]  }
0xa6: {  	v63 =	vld [tilespmem:s26+$0x4430];
	v0 =	vmul.f32 v0, v1  }
0xa7: {  	v1 =	vld [tilespmem:s26+$0x430]  }
0xa8: {  	v2 =	vmul.f32 v3, v2;
	v0 =	vadd.f32 $0.0e+00, v0;
	_ =	sdelay $0x1  }
0xa9: {  	v0 =	vadd.f32 v2, v0;
	v2 =	vmul.f32 v62, v61;
	_ =	sdelay $0x1  }
0xaa: {  	v1 =	vmul.f32 v63, v1;
	v0 =	vadd.f32 v2, v0;
	_ =	sdelay $0x1  }
0xab: {  	v0 =	vadd.f32 v1, v0  }
0xac: {  	s26 =	simm.s32 $0x9800  }
0xad: {  	s7 =	simm.s32 $0x40;
	[tilespmem:s26+$0x0] =	vst v0  }
0xae: {  	s29 =	simm.s32 $0x200;
	v0 =	vld [tilespmem:s7+$0x4400]  }
.LBB2_6:
0xaf: {  	p0 =	sne.s32 s29, $0x7F00;
	v1 =	vld [tilespmem:s7+$0x400]  }
0xb0: {  	v2 =	vld [tilespmem:s7+$0x410]  }
0xb1: {  	v3 =	vld [tilespmem:s7+$0x4410]  }
0xb2: {  	v4 =	vld [tilespmem:s7+$0x420]  }
0xb3: {  	v5 =	vld [tilespmem:s7+$0x4420]  }
0xb4: {  	v0 =	vmul.f32 v0, v1;
	v1 =	vld [tilespmem:s7+$0x430]  }
0xb5: {  	v6 =	vld [tilespmem:s7+$0x4430]  }
0xb6: {  	v0 =	vadd.f32 $0.0e+00, v0;
	v2 =	vmul.f32 v3, v2;
	_ =	sdelay $0x1  }
0xb7: {  	v0 =	vadd.f32 v2, v0;
	v2 =	vmul.f32 v5, v4;
	_ =	sdelay $0x1  }
0xb8: {  	v0 =	vadd.f32 v2, v0;
	v1 =	vmul.f32 v6, v1  }
.Ltmp2:
0xb9: {  	(pc) =	sbr.rel @p0 .LBB2_6-.Ltmp2, $4  }
0xba: {  	v0 =	vadd.f32 v1, v0  }
0xbb: {  	s26 =	sadd.s32 $0x10, s26  }
0xbc: {  	s7 =	sshra.s32 s29, $0x2;
	[tilespmem:s26+$0x0] =	vst v0  }
0xbd: {  	s29 =	sadd.s32 $0x100, s29;
	v0 =	vld [tilespmem:s7+$0x4400]  }
0xbe: {  	v1 =	vld [tilespmem:s7+$0x400]  }
0xbf: {  	v2 =	vld [tilespmem:s7+$0x410]  }
0xc0: {  	v3 =	vld [tilespmem:s7+$0x4410]  }
0xc1: {  	v4 =	vld [tilespmem:s7+$0x420]  }
0xc2: {  	v5 =	vld [tilespmem:s7+$0x4420]  }
0xc3: {  	v6 =	vld [tilespmem:s7+$0x4430];
	v0 =	vmul.f32 v0, v1  }
0xc4: {  	v1 =	vld [tilespmem:s7+$0x430]  }
0xc5: {  	v2 =	vmul.f32 v3, v2;
	v0 =	vadd.f32 $0.0e+00, v0;
	_ =	sdelay $0x1  }
0xc6: {  	v0 =	vadd.f32 v2, v0;
	v2 =	vmul.f32 v5, v4;
	_ =	sdelay $0x1  }
0xc7: {  	v1 =	vmul.f32 v6, v1;
	v0 =	vadd.f32 v2, v0;
	_ =	sdelay $0x1  }
0xc8: {  	v0 =	vadd.f32 v1, v0  }
0xc9: {  	s26 =	sadd.s32 $0x10, s26  }
0xca: {  	[tilespmem:s26+$0x0] =	vst v0  }
0xcb: {  	_ =	swait.ge [sflag:s18], $0x2000  }
0xcc: {  	[sflag:s18] =	ssyncset.done $0x0  }
0xcd: {  	[sflag:s18] =	ssyncadd.s32 $0xFFFFE000  }
0xce: {  	_ =	swait.ge [sflag:s18], $0x2000  }
0xcf: {  	[sflag:s18] =	ssyncset.done $0x0  }
0xd0: {  	s26 =	simm.s32 $0x0;
	[sflag:s18] =	ssyncadd.s32 $0xFFFFE000  }
0xd1: {  	v0 =	vld [tilespmem:s26+$0x6400]  }
0xd2: {  	v1 =	vld [tilespmem:s26+$0x2400]  }
0xd3: {  	v2 =	vld [tilespmem:s26+$0x2410]  }
0xd4: {  	v3 =	vld [tilespmem:s26+$0x6410]  }
0xd5: {  	v61 =	vld [tilespmem:s26+$0x2420]  }
0xd6: {  	v62 =	vld [tilespmem:s26+$0x6420]  }
0xd7: {  	v63 =	vld [tilespmem:s26+$0x6430];
	v0 =	vmul.f32 v0, v1  }
0xd8: {  	v1 =	vld [tilespmem:s26+$0x2430]  }
0xd9: {  	v2 =	vmul.f32 v3, v2;
	v0 =	vadd.f32 $0.0e+00, v0;
	_ =	sdelay $0x1  }
0xda: {  	v0 =	vadd.f32 v2, v0;
	v2 =	vmul.f32 v62, v61;
	_ =	sdelay $0x1  }
0xdb: {  	v1 =	vmul.f32 v63, v1;
	v0 =	vadd.f32 v2, v0;
	_ =	sdelay $0x1  }
0xdc: {  	v0 =	vadd.f32 v1, v0  }
0xdd: {  	s26 =	simm.s32 $0xA000  }
0xde: {  	s7 =	simm.s32 $0x40;
	[tilespmem:s26+$0x0] =	vst v0  }
0xdf: {  	s29 =	simm.s32 $0x200;
	v0 =	vld [tilespmem:s7+$0x6400]  }
.LBB2_8:
0xe0: {  	p0 =	sne.s32 s29, $0x7F00;
	v1 =	vld [tilespmem:s7+$0x2400]  }
0xe1: {  	v2 =	vld [tilespmem:s7+$0x2410]  }
0xe2: {  	v3 =	vld [tilespmem:s7+$0x6410]  }
0xe3: {  	v4 =	vld [tilespmem:s7+$0x2420]  }
0xe4: {  	v5 =	vld [tilespmem:s7+$0x6420]  }
0xe5: {  	v0 =	vmul.f32 v0, v1;
	v1 =	vld [tilespmem:s7+$0x2430]  }
0xe6: {  	v6 =	vld [tilespmem:s7+$0x6430]  }
0xe7: {  	v0 =	vadd.f32 $0.0e+00, v0;
	v2 =	vmul.f32 v3, v2;
	_ =	sdelay $0x1  }
0xe8: {  	v0 =	vadd.f32 v2, v0;
	v2 =	vmul.f32 v5, v4;
	_ =	sdelay $0x1  }
0xe9: {  	v0 =	vadd.f32 v2, v0;
	v1 =	vmul.f32 v6, v1  }
.Ltmp3:
0xea: {  	(pc) =	sbr.rel @p0 .LBB2_8-.Ltmp3, $4  }
0xeb: {  	v0 =	vadd.f32 v1, v0  }
0xec: {  	s26 =	sadd.s32 $0x10, s26  }
0xed: {  	s7 =	sshra.s32 s29, $0x2;
	[tilespmem:s26+$0x0] =	vst v0  }
0xee: {  	s29 =	sadd.s32 $0x100, s29;
	v0 =	vld [tilespmem:s7+$0x6400]  }
0xef: {  	v1 =	vld [tilespmem:s7+$0x2400]  }
0xf0: {  	v2 =	vld [tilespmem:s7+$0x2410]  }
0xf1: {  	v3 =	vld [tilespmem:s7+$0x6410]  }
0xf2: {  	v4 =	vld [tilespmem:s7+$0x2420]  }
0xf3: {  	v5 =	vld [tilespmem:s7+$0x6420]  }
0xf4: {  	v62 =	vld [tilespmem:s7+$0x2430];
	v0 =	vmul.f32 v0, v1  }
0xf5: {  	v6 =	vld [tilespmem:s7+$0x6430]  }
0xf6: {  	v2 =	vmul.f32 v3, v2;
	v0 =	vadd.f32 $0.0e+00, v0;
	_ =	sdelay $0x1  }
0xf7: {  	v63 =	vmul.f32 v5, v4;
	v0 =	vadd.f32 v2, v0;
	_ =	sdelay $0x1  }
0xf8: {  	v1 =	vmul.f32 v6, v62;
	v0 =	vadd.f32 v63, v0;
	_ =	sdelay $0x1  }
0xf9: {  	v0 =	vadd.f32 v1, v0  }
0xfa: {  	s29 =	sadd.s32 $0x10, s26  }
0xfb: {  	[tilespmem:s29+$0x0] =	vst v0  }
0xfc: {  	_ =	swait.ge [sflag:s20], $0x80  }
0xfd: {  	[sflag:s20] =	ssyncset.done $0x0  }
0xfe: {  	[sflag:s20] =	ssyncadd.s32 $0xFFFFFF80  }
0xff: {  	_ =	swait.ge [sflag:s20], $0x80  }
0x100: {  	[sflag:s20] =	ssyncset.done $0x0  }
0x101: {  	[sflag:s20] =	ssyncadd.s32 $0xFFFFFF80  }
0x102: {  	_ =	swait.ge [sflag:s20], $0x80  }
0x103: {  	[sflag:s20] =	ssyncset.done $0x0  }
0x104: {  	[sflag:s20] =	ssyncadd.s32 $0xFFFFFF80  }
0x105: {  	_ =	swait.ge [sflag:s20], $0x80  }
0x106: {  	[sflag:s20] =	ssyncset.done $0x0  }
0x107: {  	[sflag:s20] =	ssyncadd.s32 $0xFFFFFF80  }
0x108: {  	_ =	swait.ge [sflag:s20], $0x80  }
0x109: {  	[sflag:s20] =	ssyncset.done $0x0  }
0x10a: {  	[sflag:s20] =	ssyncadd.s32 $0xFFFFFF80  }
0x10b: {  	_ =	swait.ge [sflag:s20], $0x80  }
0x10c: {  	[sflag:s20] =	ssyncset.done $0x0  }
0x10d: {  	[sflag:s20] =	ssyncadd.s32 $0xFFFFFF80  }
0x10e: {  	_ =	swait.ge [sflag:s20], $0x80  }
0x10f: {  	[sflag:s20] =	ssyncset.done $0x0  }
0x110: {  	[sflag:s20] =	ssyncadd.s32 $0xFFFFFF80  }
0x111: {  	_ =	swait.ge [sflag:s20], $0x80  }
0x112: {  	[sflag:s20] =	ssyncset.done $0x0  }
0x113: {  	[sflag:s20] =	ssyncadd.s32 $0xFFFFFF80  }
0x114: {  	[hbm4b:s9+s1] =	stream.linear.scatter [tilespmem:s22], [sflag:$0x3], $0x2000, $0x38;
	[tilespmem:$0xA800] =	vst v63  }
0x115: {  	_ =	swait.ge [sflag:s13], $0x2000  }
0x116: {  	[sflag:s13] =	ssyncset.done $0x0  }
0x117: {  	[sflag:s13] =	ssyncadd.s32 $0xFFFFE000  }
0x118: {  	[hbm4b:s10+s1] =	stream.linear.scatter [tilespmem:s16], [sflag:$0x3], $0x200, $0x38;
	[tilespmem:$0xA800] =	vst v63  }
0x119: {  	s24 =	sadd.s32 $0x1, s24;
	_ =	swait.ge [sflag:s13], $0x200  }
0x11a: {  	p0 =	sne.s32 s24, s12;
	[sflag:s13] =	ssyncset.done $0x0  }
.Ltmp4:
0x11b: {  	[sflag:s13] =	ssyncadd.s32 $0xFFFFFE00;
	(pc) =	sbr.rel @p0 .LBB2_1-.Ltmp4, $4  }
0x11c: {  	[hbm4b:s11+s1] =	stream.linear.scatter [tilespmem:s17], [sflag:$0x3], $0x200, $0x38;
	[tilespmem:$0xA800] =	vst v63  }
0x11d: {  	_ =	swait.ge [sflag:s13], $0x200  }
0x11e: {  	[sflag:s13] =	ssyncset.done $0x0  }
0x11f: {  	[sflag:s13] =	ssyncadd.s32 $0xFFFFFE00  }
0x120: {  	_ =	sfence.sel $0x180000  }
0x121: {  	[bflag:$0x0] =	sbarrier.arrive $0xFFFF  }
0x122: {  	_ =	strace $0x90000047  }
0x123: {  	s0 =	stileid.u32;
	[bflag:$0x2] =	sbarrier.arrive $0xFFFF  }
0x124: {  	p0 =	sne.s32 s0, $0x0;
	s0 =	rddreg [dreg:$0x4]  }
0x125: {  	s0 =	sadd.s32 @!p0 $0x100000, s0  }
0x126: {  	[sflag:s0] =	ssyncadd.tile.s32 @!p0 $0x1;
	_ =	shalt  }
.Lfunc_end2:
_tile_overlayer_lowered:
.L_overlay_start_2:
0x127: {  	(tag) =	ssettag $0x2  }
0x128: {  	s0 =	rddreg [dreg:$0x0];
	s2 =	stileid.u32  }
0x129: {  	s1 =	rddreg [dreg:$0x1];
	p0 =	sne.s32 s2, $0x0  }
0x12a: {  	s3 =	rddreg [dreg:$0x2];
	[bflag:$0x3] =	sbarrier.arrive $0xFFFF;
	s2 =	simm.s32 @!p0 $0x1C03  }
0x12b: {  	[timem:s3], [sflag:s2] =	dma.local @!p0 [hbm:s0], s1  }
0x12c: {  	s0 =	simm.s32 @!p0 $0x3  }
0x12d: {  	_ =	swait.ge @!p0 [sflag:s0], s1  }
0x12e: {  	s1 =	ssub.s32 @!p0 $0x0, s1;
	[sflag:s0] =	ssyncset.done @!p0 $0x0  }
0x12f: {  	[sflag:s0] =	ssyncadd.s32 @!p0 s1  }
0x130: {  	[bflag:$0x3] =	sbarrier.arrive $0xFFFF  }
0x131: {  	_ =	shalt  }

</sc_bundles>
